<compile_context>
chip_gen: v7x
topology: tpu7x:2x2x1
jax: 0.10.2.dev20260603
libtpu: 0.0.44.dev20260713+nightly
codegen_flags: <defaults>
</compile_context>

<pallas_src>
import functools

import jax
import jax.numpy as jnp
from jax import lax
from jax.experimental import pallas as pl
from jax.experimental.pallas import tpu as pltpu
from jax.experimental.pallas import tpu_sc as plsc

_NC = 2
_NS = 16
_NW = _NC * _NS
_DEPTH = 3
_K = 40


@functools.lru_cache(maxsize=None)
def _gather_call(n, seq_len, d):
    per_w = n // _NW
    sizes = [_K] * (per_w // _K)
    if per_w % _K:
        sizes.append(per_w % _K)
    offs = [sum(sizes[:i]) for i in range(len(sizes))]
    nch = len(sizes)
    mesh = plsc.VectorSubcoreMesh(core_axis_name="c", subcore_axis_name="s")

    @functools.partial(
        pl.kernel,
        mesh=mesh,
        out_type=jax.ShapeDtypeStruct((n // seq_len, seq_len, d), jnp.float32),
        scratch_types=[pltpu.VMEM((per_w,), jnp.int32)]
        + [pltpu.VMEM((_K, d), jnp.float32)] * _DEPTH
        + [pltpu.SemaphoreType.DMA] * (2 * _DEPTH),
    )
    def grab(ids_hbm, table_hbm, out_hbm, idx_v, *rest):
        bufs = rest[:_DEPTH]
        gsems = rest[_DEPTH:2 * _DEPTH]
        osems = rest[2 * _DEPTH:]
        wid = lax.axis_index("s") * _NC + lax.axis_index("c")
        base = wid * per_w
        seq = ids_hbm.shape[1]
        w_per_row = seq // per_w
        pltpu.sync_copy(
            ids_hbm.at[wid // w_per_row, pl.ds((wid % w_per_row) * per_w, per_w)],
            idx_v)

        def gather(ch, b):
            sz = sizes[ch]
            dst = bufs[b] if sz == _K else bufs[b].at[pl.ds(0, sz)]
            return pltpu.async_copy(
                table_hbm.at[idx_v.at[pl.ds(offs[ch], sz)]], dst, gsems[b])

        ghandles = [None] * _DEPTH
        ohandles = [None] * _DEPTH
        for ch in range(min(_DEPTH, nch)):
            ghandles[ch] = gather(ch, ch)
        for ch in range(nch):
            b = ch % _DEPTH
            sz = sizes[ch]
            ghandles[b].wait()
            src = bufs[b] if sz == _K else bufs[b].at[pl.ds(0, sz)]
            row = (base + offs[ch]) // seq_len
            col = (base + offs[ch]) % seq_len
            ohandles[b] = pltpu.async_copy(
                src, out_hbm.at[row, pl.ds(col, sz)], osems[b])
            nxt = ch + _DEPTH
            if nxt < nch:
                ohandles[b].wait()
                ghandles[b] = gather(nxt, b)
        for h in ohandles:
            if h is not None:
                h.wait()

    return grab


def kernel(input_ids, embed_table):
    b, s = input_ids.shape
    v, d = embed_table.shape
    n = b * s
    return _gather_call(n, s, d)(input_ids, embed_table)

# --- scband reference (transcript-rebuilt; emitter-appended) ---
"""Pipeline reference for scband-text-embedding-wrapper-65738769433136 (READ-ONLY COPY).

The authoritative reference and input builder live on the scoring server;
editing this copy changes nothing except your own understanding.
"""

import jax, jax.numpy as jnp
import numpy as np

VOCAB = 100000
EMBED_DIM = 1024
BATCH = 4
SEQ_LEN = 4096

def setup_inputs(seed: int = 0) -> dict:
    key = jax.random.key(seed)
    k_ids, k_tab = jax.random.split(key)
    input_ids = jax.random.randint(k_ids, (BATCH, SEQ_LEN), 0, VOCAB, dtype=jnp.int64 if jax.config.read('jax_enable_x64') else jnp.int32)
    embed_table = jax.random.normal(k_tab, (VOCAB, EMBED_DIM), dtype=jnp.float32) * 0.02
    return {"input_ids": input_ids, "embed_table": embed_table}

def reference(input_ids, embed_table):
    # TextEmbeddingWrapper.forward: return self.embed_tokens(input_ids)
    # nn.Embedding lookup == row gather from the table
    return jnp.take(embed_table, input_ids, axis=0)

if __name__ == "__main__":
    import jax
    _d = setup_inputs()
    print(jax.jit(kernel)(*tuple(_d.values())))

</pallas_src>

<mosaic_0001>
#map = affine_map<(d0, d1) -> (0, 0)>
#map1 = affine_map<(d0, d1) -> (0, 0, 0)>
module attributes {stable_mosaic.version = 14 : i64} {
  func.func @grab(%arg0: i32, %arg1: i32, %arg2: memref<4x4096xi32, #tpu.memory_space<hbm>>, %arg3: memref<100000x1024xf32, #tpu.memory_space<hbm>>, %arg4: memref<4x4096x1024xf32, #tpu.memory_space<hbm>>, %arg5: memref<512xi32, #tpu.memory_space<vmem>>, %arg6: memref<40x1024xf32, #tpu.memory_space<vmem>>, %arg7: memref<40x1024xf32, #tpu.memory_space<vmem>>, %arg8: memref<40x1024xf32, #tpu.memory_space<vmem>>, %arg9: memref<!tpu.dma_semaphore, #tpu.memory_space<semaphore_mem>>, %arg10: memref<!tpu.dma_semaphore, #tpu.memory_space<semaphore_mem>>, %arg11: memref<!tpu.dma_semaphore, #tpu.memory_space<semaphore_mem>>, %arg12: memref<!tpu.dma_semaphore, #tpu.memory_space<semaphore_mem>>, %arg13: memref<!tpu.dma_semaphore, #tpu.memory_space<semaphore_mem>>, %arg14: memref<!tpu.dma_semaphore, #tpu.memory_space<semaphore_mem>>) attributes {dimension_semantics = [#tpu.dimension_semantics<core_parallel>, #tpu.dimension_semantics<subcore_parallel>], iteration_bounds = array<i64: 2, 16>, scalar_prefetch = 0 : i64, scratch_operands = 10 : i64, tpu.core_type = #tpu.core_type<sc_vector_subcore>, window_params = [{transform_indices = #map}, {transform_indices = #map}, {transform_indices = #map1}]} {
    %mul3A = arith.constant 2 : i32
    %mul3A_0 = arith.muli %arg1, %mul3A : i32
    %add3A = arith.addi %mul3A_0, %arg0 : i32
    %mul3A_1 = arith.constant 512 : i32
    %mul3A_2 = arith.muli %add3A, %mul3A_1 : i32
    %jit3A = arith.constant 8 : i32
    %div3A = arith.divsi %add3A, %jit3A : i32
    %sign3A = arith.constant 0 : i32
    %sign3A_3 = arith.cmpi sgt, %add3A, %sign3A : i32
    %sign3A_4 = arith.extui %sign3A_3 : i1 to i32
    %sign3A_5 = arith.constant 0 : i32
    %sign3A_6 = arith.cmpi slt, %add3A, %sign3A_5 : i32
    %sign3A_7 = arith.extui %sign3A_6 : i1 to i32
    %sign3A_8 = arith.subi %sign3A_4, %sign3A_7 : i32
    %sign3A_9 = arith.constant 0 : i32
    %sign3A_10 = arith.cmpi sgt, %jit3A, %sign3A_9 : i32
    %sign3A_11 = arith.extui %sign3A_10 : i1 to i32
    %sign3A_12 = arith.constant 0 : i32
    %sign3A_13 = arith.cmpi slt, %jit3A, %sign3A_12 : i32
    %sign3A_14 = arith.extui %sign3A_13 : i1 to i32
    %sign3A_15 = arith.subi %sign3A_11, %sign3A_14 : i32
    %ne3A = arith.cmpi ne, %sign3A_8, %sign3A_15 : i32
    %rem3A = arith.remsi %add3A, %jit3A : i32
    %ne3A_16 = arith.constant 0 : i32
    %ne3A_17 = arith.cmpi ne, %rem3A, %ne3A_16 : i32
    %and3A = arith.andi %ne3A, %ne3A_17 : i1
    %sub3A = arith.constant 1 : i32
    %sub3A_18 = arith.subi %div3A, %sub3A : i32
    %select_n3A = arith.select %and3A, %sub3A_18, %div3A : i32
    %jit3A_19 = arith.constant 8 : i32
    %eq3A = arith.constant 0 : i32
    %eq3A_20 = arith.cmpi eq, %jit3A_19, %eq3A : i32
    %jit3A_21 = arith.constant 1 : i32
    %select_n3A_22 = arith.select %eq3A_20, %jit3A_21, %jit3A_19 : i32
    %rem3A_23 = arith.remsi %add3A, %select_n3A_22 : i32
    %ne3A_24 = arith.constant 0 : i32
    %ne3A_25 = arith.cmpi ne, %rem3A_23, %ne3A_24 : i32
    %lt3A = arith.constant 0 : i32
    %lt3A_26 = arith.cmpi slt, %rem3A_23, %lt3A : i32
    %lt3A_27 = arith.constant 0 : i32
    %lt3A_28 = arith.cmpi slt, %select_n3A_22, %lt3A_27 : i32
    %ne3A_29 = arith.xori %lt3A_26, %lt3A_28 : i1
    %and3A_30 = arith.andi %ne3A_29, %ne3A_25 : i1
    %add3A_31 = arith.addi %rem3A_23, %select_n3A_22 : i32
    %select_n3A_32 = arith.select %and3A_30, %add3A_31, %rem3A_23 : i32
    %mul3A_33 = arith.constant 512 : i32
    %mul3A_34 = arith.muli %select_n3A_32, %mul3A_33 : i32
    "tpu.region"() ({
      %run_scoped3A = tpu.sem_alloc : memref<!tpu.dma_semaphore, #tpu.memory_space<semaphore_mem>>
      %dma_start3A_909 = tpu.memref_slice %arg2[%select_n3A, %mul3A_34] : memref<4x4096xi32, #tpu.memory_space<hbm>> -> memref<1x512xi32, #tpu.memory_space<hbm>>
      %dma_start3A_910 = tpu.memref_squeeze %dma_start3A_909 : memref<1x512xi32, #tpu.memory_space<hbm>> -> memref<512xi32, #tpu.memory_space<hbm>>
      %dma_start3A_911 = tpu.memref_slice %arg2[%select_n3A, %mul3A_34] : memref<4x4096xi32, #tpu.memory_space<hbm>> -> memref<1x512xi32, #tpu.memory_space<hbm>>
      %dma_start3A_912 = tpu.memref_squeeze %dma_start3A_911 : memref<1x512xi32, #tpu.memory_space<hbm>> -> memref<512xi32, #tpu.memory_space<hbm>>
      tpu.enqueue_dma source(%dma_start3A_912 : memref<512xi32, #tpu.memory_space<hbm>>) target(%arg5 : memref<512xi32, #tpu.memory_space<vmem>>) target_semaphore(%run_scoped3A : memref<!tpu.dma_semaphore, #tpu.memory_space<semaphore_mem>>)
      %dma_wait3A_913 = tpu.memref_slice %arg2[%select_n3A, %mul3A_34] : memref<4x4096xi32, #tpu.memory_space<hbm>> -> memref<1x512xi32, #tpu.memory_space<hbm>>
      %dma_wait3A_914 = tpu.memref_squeeze %dma_wait3A_913 : memref<1x512xi32, #tpu.memory_space<hbm>> -> memref<512xi32, #tpu.memory_space<hbm>>
      %dma_wait3A_915 = tpu.memref_slice %arg2[%select_n3A, %mul3A_34] : memref<4x4096xi32, #tpu.memory_space<hbm>> -> memref<1x512xi32, #tpu.memory_space<hbm>>
      %dma_wait3A_916 = tpu.memref_squeeze %dma_wait3A_915 : memref<1x512xi32, #tpu.memory_space<hbm>> -> memref<512xi32, #tpu.memory_space<hbm>>
      tpu.wait_dma2 semaphore(%run_scoped3A : memref<!tpu.dma_semaphore, #tpu.memory_space<semaphore_mem>>) src(%dma_wait3A_916 : memref<512xi32, #tpu.memory_space<hbm>>) dst(%arg5 : memref<512xi32, #tpu.memory_space<vmem>>)
      tpu.yield
    }) : () -> ()
    %dma_start3A = arith.constant 0 : i32
    %dma_start3A_35 = tpu.memref_slice %arg5[%dma_start3A] : memref<512xi32, #tpu.memory_space<vmem>> -> memref<40xi32, #tpu.memory_space<vmem>>
    %dma_start3A_36 = arith.constant 0 : i32
    %dma_start3A_37 = arith.constant 0 : i32
    %dma_start3A_38 = tpu.memref_slice %arg3[%dma_start3A_36, %dma_start3A_37] : memref<100000x1024xf32, #tpu.memory_space<hbm>> -> memref<100000x1024xf32, #tpu.memory_space<hbm>>
    tpu.enqueue_indirect_dma source(%dma_start3A_38 : memref<100000x1024xf32, #tpu.memory_space<hbm>>) target(%arg6 : memref<40x1024xf32, #tpu.memory_space<vmem>>) offsets(%dma_start3A_35 : memref<40xi32, #tpu.memory_space<vmem>>) semaphore(%arg9 : memref<!tpu.dma_semaphore, #tpu.memory_space<semaphore_mem>>)
    %dma_start3A_39 = arith.constant 40 : i32
    %dma_start3A_40 = tpu.memref_slice %arg5[%dma_start3A_39] : memref<512xi32, #tpu.memory_space<vmem>> -> memref<40xi32, #tpu.memory_space<vmem>>
    %dma_start3A_41 = arith.constant 0 : i32
    %dma_start3A_42 = arith.constant 0 : i32
    %dma_start3A_43 = tpu.memref_slice %arg3[%dma_start3A_41, %dma_start3A_42] : memref<100000x1024xf32, #tpu.memory_space<hbm>> -> memref<100000x1024xf32, #tpu.memory_space<hbm>>
    tpu.enqueue_indirect_dma source(%dma_start3A_43 : memref<100000x1024xf32, #tpu.memory_space<hbm>>) target(%arg7 : memref<40x1024xf32, #tpu.memory_space<vmem>>) offsets(%dma_start3A_40 : memref<40xi32, #tpu.memory_space<vmem>>) semaphore(%arg10 : memref<!tpu.dma_semaphore, #tpu.memory_space<semaphore_mem>>)
    %dma_start3A_44 = arith.constant 80 : i32
    %dma_start3A_45 = tpu.memref_slice %arg5[%dma_start3A_44] : memref<512xi32, #tpu.memory_space<vmem>> -> memref<40xi32, #tpu.memory_space<vmem>>
    %dma_start3A_46 = arith.constant 0 : i32
    %dma_start3A_47 = arith.constant 0 : i32
    %dma_start3A_48 = tpu.memref_slice %arg3[%dma_start3A_46, %dma_start3A_47] : memref<100000x1024xf32, #tpu.memory_space<hbm>> -> memref<100000x1024xf32, #tpu.memory_space<hbm>>
    tpu.enqueue_indirect_dma source(%dma_start3A_48 : memref<100000x1024xf32, #tpu.memory_space<hbm>>) target(%arg8 : memref<40x1024xf32, #tpu.memory_space<vmem>>) offsets(%dma_start3A_45 : memref<40xi32, #tpu.memory_space<vmem>>) semaphore(%arg11 : memref<!tpu.dma_semaphore, #tpu.memory_space<semaphore_mem>>)
    %dma_wait3A = arith.constant 0 : i32
    %dma_wait3A_49 = tpu.memref_slice %arg5[%dma_wait3A] : memref<512xi32, #tpu.memory_space<vmem>> -> memref<40xi32, #tpu.memory_space<vmem>>
    %dma_wait3A_50 = arith.constant 0 : i32
    %dma_wait3A_51 = arith.constant 0 : i32
    %dma_wait3A_52 = tpu.memref_slice %arg3[%dma_wait3A_50, %dma_wait3A_51] : memref<100000x1024xf32, #tpu.memory_space<hbm>> -> memref<100000x1024xf32, #tpu.memory_space<hbm>>
    tpu.wait_indirect_dma semaphore(%arg9 : memref<!tpu.dma_semaphore, #tpu.memory_space<semaphore_mem>>) src(%dma_wait3A_52 : memref<100000x1024xf32, #tpu.memory_space<hbm>>) dst(%arg6 : memref<40x1024xf32, #tpu.memory_space<vmem>>)
    %add3A_53 = arith.constant 0 : i32
    %add3A_54 = arith.addi %mul3A_2, %add3A_53 : i32
    %jit3A_55 = arith.constant 4096 : i32
    %div3A_56 = arith.divsi %add3A_54, %jit3A_55 : i32
    %sign3A_57 = arith.constant 0 : i32
    %sign3A_58 = arith.cmpi sgt, %add3A_54, %sign3A_57 : i32
    %sign3A_59 = arith.extui %sign3A_58 : i1 to i32
    %sign3A_60 = arith.constant 0 : i32
    %sign3A_61 = arith.cmpi slt, %add3A_54, %sign3A_60 : i32
    %sign3A_62 = arith.extui %sign3A_61 : i1 to i32
    %sign3A_63 = arith.subi %sign3A_59, %sign3A_62 : i32
    %sign3A_64 = arith.constant 0 : i32
    %sign3A_65 = arith.cmpi sgt, %jit3A_55, %sign3A_64 : i32
    %sign3A_66 = arith.extui %sign3A_65 : i1 to i32
    %sign3A_67 = arith.constant 0 : i32
    %sign3A_68 = arith.cmpi slt, %jit3A_55, %sign3A_67 : i32
    %sign3A_69 = arith.extui %sign3A_68 : i1 to i32
    %sign3A_70 = arith.subi %sign3A_66, %sign3A_69 : i32
    %ne3A_71 = arith.cmpi ne, %sign3A_63, %sign3A_70 : i32
    %rem3A_72 = arith.remsi %add3A_54, %jit3A_55 : i32
    %ne3A_73 = arith.constant 0 : i32
    %ne3A_74 = arith.cmpi ne, %rem3A_72, %ne3A_73 : i32
    %and3A_75 = arith.andi %ne3A_71, %ne3A_74 : i1
    %sub3A_76 = arith.constant 1 : i32
    %sub3A_77 = arith.subi %div3A_56, %sub3A_76 : i32
    %select_n3A_78 = arith.select %and3A_75, %sub3A_77, %div3A_56 : i32
    %add3A_79 = arith.constant 0 : i32
    %add3A_80 = arith.addi %mul3A_2, %add3A_79 : i32
    %jit3A_81 = arith.constant 4096 : i32
    %eq3A_82 = arith.constant 0 : i32
    %eq3A_83 = arith.cmpi eq, %jit3A_81, %eq3A_82 : i32
    %jit3A_84 = arith.constant 1 : i32
    %select_n3A_85 = arith.select %eq3A_83, %jit3A_84, %jit3A_81 : i32
    %rem3A_86 = arith.remsi %add3A_80, %select_n3A_85 : i32
    %ne3A_87 = arith.constant 0 : i32
    %ne3A_88 = arith.cmpi ne, %rem3A_86, %ne3A_87 : i32
    %lt3A_89 = arith.constant 0 : i32
    %lt3A_90 = arith.cmpi slt, %rem3A_86, %lt3A_89 : i32
    %lt3A_91 = arith.constant 0 : i32
    %lt3A_92 = arith.cmpi slt, %select_n3A_85, %lt3A_91 : i32
    %ne3A_93 = arith.xori %lt3A_90, %lt3A_92 : i1
    %and3A_94 = arith.andi %ne3A_93, %ne3A_88 : i1
    %add3A_95 = arith.addi %rem3A_86, %select_n3A_85 : i32
    %select_n3A_96 = arith.select %and3A_94, %add3A_95, %rem3A_86 : i32
    %dma_start3A_97 = arith.constant 0 : i32
    %dma_start3A_98 = tpu.memref_slice %arg4[%select_n3A_78, %select_n3A_96, %dma_start3A_97] : memref<4x4096x1024xf32, #tpu.memory_space<hbm>> -> memref<1x40x1024xf32, #tpu.memory_space<hbm>>
    %dma_start3A_99 = tpu.memref_squeeze %dma_start3A_98 : memref<1x40x1024xf32, #tpu.memory_space<hbm>> -> memref<40x1024xf32, #tpu.memory_space<hbm>>
    %dma_start3A_100 = arith.constant 0 : i32
    %dma_start3A_101 = tpu.memref_slice %arg4[%select_n3A_78, %select_n3A_96, %dma_start3A_100] : memref<4x4096x1024xf32, #tpu.memory_space<hbm>> -> memref<1x40x1024xf32, #tpu.memory_space<hbm>>
    %dma_start3A_102 = tpu.memref_squeeze %dma_start3A_101 : memref<1x40x1024xf32, #tpu.memory_space<hbm>> -> memref<40x1024xf32, #tpu.memory_space<hbm>>
    tpu.enqueue_dma source(%arg6 : memref<40x1024xf32, #tpu.memory_space<vmem>>) target(%dma_start3A_102 : memref<40x1024xf32, #tpu.memory_space<hbm>>) target_semaphore(%arg12 : memref<!tpu.dma_semaphore, #tpu.memory_space<semaphore_mem>>)
    %dma_wait3A_103 = arith.constant 0 : i32
    %dma_wait3A_104 = tpu.memref_slice %arg4[%select_n3A_78, %select_n3A_96, %dma_wait3A_103] : memref<4x4096x1024xf32, #tpu.memory_space<hbm>> -> memref<1x40x1024xf32, #tpu.memory_space<hbm>>
    %dma_wait3A_105 = tpu.memref_squeeze %dma_wait3A_104 : memref<1x40x1024xf32, #tpu.memory_space<hbm>> -> memref<40x1024xf32, #tpu.memory_space<hbm>>
    %dma_wait3A_106 = arith.constant 0 : i32
    %dma_wait3A_107 = tpu.memref_slice %arg4[%select_n3A_78, %select_n3A_96, %dma_wait3A_106] : memref<4x4096x1024xf32, #tpu.memory_space<hbm>> -> memref<1x40x1024xf32, #tpu.memory_space<hbm>>
    %dma_wait3A_108 = tpu.memref_squeeze %dma_wait3A_107 : memref<1x40x1024xf32, #tpu.memory_space<hbm>> -> memref<40x1024xf32, #tpu.memory_space<hbm>>
    tpu.wait_dma2 semaphore(%arg12 : memref<!tpu.dma_semaphore, #tpu.memory_space<semaphore_mem>>) src(%arg6 : memref<40x1024xf32, #tpu.memory_space<vmem>>) dst(%dma_wait3A_108 : memref<40x1024xf32, #tpu.memory_space<hbm>>)
    %dma_start3A_109 = arith.constant 120 : i32
    %dma_start3A_110 = tpu.memref_slice %arg5[%dma_start3A_109] : memref<512xi32, #tpu.memory_space<vmem>> -> memref<40xi32, #tpu.memory_space<vmem>>
    %dma_start3A_111 = arith.constant 0 : i32
    %dma_start3A_112 = arith.constant 0 : i32
    %dma_start3A_113 = tpu.memref_slice %arg3[%dma_start3A_111, %dma_start3A_112] : memref<100000x1024xf32, #tpu.memory_space<hbm>> -> memref<100000x1024xf32, #tpu.memory_space<hbm>>
    tpu.enqueue_indirect_dma source(%dma_start3A_113 : memref<100000x1024xf32, #tpu.memory_space<hbm>>) target(%arg6 : memref<40x1024xf32, #tpu.memory_space<vmem>>) offsets(%dma_start3A_110 : memref<40xi32, #tpu.memory_space<vmem>>) semaphore(%arg9 : memref<!tpu.dma_semaphore, #tpu.memory_space<semaphore_mem>>)
    %dma_wait3A_114 = arith.constant 40 : i32
    %dma_wait3A_115 = tpu.memref_slice %arg5[%dma_wait3A_114] : memref<512xi32, #tpu.memory_space<vmem>> -> memref<40xi32, #tpu.memory_space<vmem>>
    %dma_wait3A_116 = arith.constant 0 : i32
    %dma_wait3A_117 = arith.constant 0 : i32
    %dma_wait3A_118 = tpu.memref_slice %arg3[%dma_wait3A_116, %dma_wait3A_117] : memref<100000x1024xf32, #tpu.memory_space<hbm>> -> memref<100000x1024xf32, #tpu.memory_space<hbm>>
    tpu.wait_indirect_dma semaphore(%arg10 : memref<!tpu.dma_semaphore, #tpu.memory_space<semaphore_mem>>) src(%dma_wait3A_118 : memref<100000x1024xf32, #tpu.memory_space<hbm>>) dst(%arg7 : memref<40x1024xf32, #tpu.memory_space<vmem>>)
    %add3A_119 = arith.constant 40 : i32
    %add3A_120 = arith.addi %mul3A_2, %add3A_119 : i32
    %jit3A_121 = arith.constant 4096 : i32
    %div3A_122 = arith.divsi %add3A_120, %jit3A_121 : i32
    %sign3A_123 = arith.constant 0 : i32
    %sign3A_124 = arith.cmpi sgt, %add3A_120, %sign3A_123 : i32
    %sign3A_125 = arith.extui %sign3A_124 : i1 to i32
    %sign3A_126 = arith.constant 0 : i32
    %sign3A_127 = arith.cmpi slt, %add3A_120, %sign3A_126 : i32
    %sign3A_128 = arith.extui %sign3A_127 : i1 to i32
    %sign3A_129 = arith.subi %sign3A_125, %sign3A_128 : i32
    %sign3A_130 = arith.constant 0 : i32
    %sign3A_131 = arith.cmpi sgt, %jit3A_121, %sign3A_130 : i32
    %sign3A_132 = arith.extui %sign3A_131 : i1 to i32
    %sign3A_133 = arith.constant 0 : i32
    %sign3A_134 = arith.cmpi slt, %jit3A_121, %sign3A_133 : i32
    %sign3A_135 = arith.extui %sign3A_134 : i1 to i32
    %sign3A_136 = arith.subi %sign3A_132, %sign3A_135 : i32
    %ne3A_137 = arith.cmpi ne, %sign3A_129, %sign3A_136 : i32
    %rem3A_138 = arith.remsi %add3A_120, %jit3A_121 : i32
    %ne3A_139 = arith.constant 0 : i32
    %ne3A_140 = arith.cmpi ne, %rem3A_138, %ne3A_139 : i32
    %and3A_141 = arith.andi %ne3A_137, %ne3A_140 : i1
    %sub3A_142 = arith.constant 1 : i32
    %sub3A_143 = arith.subi %div3A_122, %sub3A_142 : i32
    %select_n3A_144 = arith.select %and3A_141, %sub3A_143, %div3A_122 : i32
    %add3A_145 = arith.constant 40 : i32
    %add3A_146 = arith.addi %mul3A_2, %add3A_145 : i32
    %jit3A_147 = arith.constant 4096 : i32
    %eq3A_148 = arith.constant 0 : i32
    %eq3A_149 = arith.cmpi eq, %jit3A_147, %eq3A_148 : i32
    %jit3A_150 = arith.constant 1 : i32
    %select_n3A_151 = arith.select %eq3A_149, %jit3A_150, %jit3A_147 : i32
    %rem3A_152 = arith.remsi %add3A_146, %select_n3A_151 : i32
    %ne3A_153 = arith.constant 0 : i32
    %ne3A_154 = arith.cmpi ne, %rem3A_152, %ne3A_153 : i32
    %lt3A_155 = arith.constant 0 : i32
    %lt3A_156 = arith.cmpi slt, %rem3A_152, %lt3A_155 : i32
    %lt3A_157 = arith.constant 0 : i32
    %lt3A_158 = arith.cmpi slt, %select_n3A_151, %lt3A_157 : i32
    %ne3A_159 = arith.xori %lt3A_156, %lt3A_158 : i1
    %and3A_160 = arith.andi %ne3A_159, %ne3A_154 : i1
    %add3A_161 = arith.addi %rem3A_152, %select_n3A_151 : i32
    %select_n3A_162 = arith.select %and3A_160, %add3A_161, %rem3A_152 : i32
    %dma_start3A_163 = arith.constant 0 : i32
    %dma_start3A_164 = tpu.memref_slice %arg4[%select_n3A_144, %select_n3A_162, %dma_start3A_163] : memref<4x4096x1024xf32, #tpu.memory_space<hbm>> -> memref<1x40x1024xf32, #tpu.memory_space<hbm>>
    %dma_start3A_165 = tpu.memref_squeeze %dma_start3A_164 : memref<1x40x1024xf32, #tpu.memory_space<hbm>> -> memref<40x1024xf32, #tpu.memory_space<hbm>>
    %dma_start3A_166 = arith.constant 0 : i32
    %dma_start3A_167 = tpu.memref_slice %arg4[%select_n3A_144, %select_n3A_162, %dma_start3A_166] : memref<4x4096x1024xf32, #tpu.memory_space<hbm>> -> memref<1x40x1024xf32, #tpu.memory_space<hbm>>
    %dma_start3A_168 = tpu.memref_squeeze %dma_start3A_167 : memref<1x40x1024xf32, #tpu.memory_space<hbm>> -> memref<40x1024xf32, #tpu.memory_space<hbm>>
    tpu.enqueue_dma source(%arg7 : memref<40x1024xf32, #tpu.memory_space<vmem>>) target(%dma_start3A_168 : memref<40x1024xf32, #tpu.memory_space<hbm>>) target_semaphore(%arg13 : memref<!tpu.dma_semaphore, #tpu.memory_space<semaphore_mem>>)
    %dma_wait3A_169 = arith.constant 0 : i32
    %dma_wait3A_170 = tpu.memref_slice %arg4[%select_n3A_144, %select_n3A_162, %dma_wait3A_169] : memref<4x4096x1024xf32, #tpu.memory_space<hbm>> -> memref<1x40x1024xf32, #tpu.memory_space<hbm>>
    %dma_wait3A_171 = tpu.memref_squeeze %dma_wait3A_170 : memref<1x40x1024xf32, #tpu.memory_space<hbm>> -> memref<40x1024xf32, #tpu.memory_space<hbm>>
    %dma_wait3A_172 = arith.constant 0 : i32
    %dma_wait3A_173 = tpu.memref_slice %arg4[%select_n3A_144, %select_n3A_162, %dma_wait3A_172] : memref<4x4096x1024xf32, #tpu.memory_space<hbm>> -> memref<1x40x1024xf32, #tpu.memory_space<hbm>>
    %dma_wait3A_174 = tpu.memref_squeeze %dma_wait3A_173 : memref<1x40x1024xf32, #tpu.memory_space<hbm>> -> memref<40x1024xf32, #tpu.memory_space<hbm>>
    tpu.wait_dma2 semaphore(%arg13 : memref<!tpu.dma_semaphore, #tpu.memory_space<semaphore_mem>>) src(%arg7 : memref<40x1024xf32, #tpu.memory_space<vmem>>) dst(%dma_wait3A_174 : memref<40x1024xf32, #tpu.memory_space<hbm>>)
    %dma_start3A_175 = arith.constant 160 : i32
    %dma_start3A_176 = tpu.memref_slice %arg5[%dma_start3A_175] : memref<512xi32, #tpu.memory_space<vmem>> -> memref<40xi32, #tpu.memory_space<vmem>>
    %dma_start3A_177 = arith.constant 0 : i32
    %dma_start3A_178 = arith.constant 0 : i32
    %dma_start3A_179 = tpu.memref_slice %arg3[%dma_start3A_177, %dma_start3A_178] : memref<100000x1024xf32, #tpu.memory_space<hbm>> -> memref<100000x1024xf32, #tpu.memory_space<hbm>>
    tpu.enqueue_indirect_dma source(%dma_start3A_179 : memref<100000x1024xf32, #tpu.memory_space<hbm>>) target(%arg7 : memref<40x1024xf32, #tpu.memory_space<vmem>>) offsets(%dma_start3A_176 : memref<40xi32, #tpu.memory_space<vmem>>) semaphore(%arg10 : memref<!tpu.dma_semaphore, #tpu.memory_space<semaphore_mem>>)
    %dma_wait3A_180 = arith.constant 80 : i32
    %dma_wait3A_181 = tpu.memref_slice %arg5[%dma_wait3A_180] : memref<512xi32, #tpu.memory_space<vmem>> -> memref<40xi32, #tpu.memory_space<vmem>>
    %dma_wait3A_182 = arith.constant 0 : i32
    %dma_wait3A_183 = arith.constant 0 : i32
    %dma_wait3A_184 = tpu.memref_slice %arg3[%dma_wait3A_182, %dma_wait3A_183] : memref<100000x1024xf32, #tpu.memory_space<hbm>> -> memref<100000x1024xf32, #tpu.memory_space<hbm>>
    tpu.wait_indirect_dma semaphore(%arg11 : memref<!tpu.dma_semaphore, #tpu.memory_space<semaphore_mem>>) src(%dma_wait3A_184 : memref<100000x1024xf32, #tpu.memory_space<hbm>>) dst(%arg8 : memref<40x1024xf32, #tpu.memory_space<vmem>>)
    %add3A_185 = arith.constant 80 : i32
    %add3A_186 = arith.addi %mul3A_2, %add3A_185 : i32
    %jit3A_187 = arith.constant 4096 : i32
    %div3A_188 = arith.divsi %add3A_186, %jit3A_187 : i32
    %sign3A_189 = arith.constant 0 : i32
    %sign3A_190 = arith.cmpi sgt, %add3A_186, %sign3A_189 : i32
    %sign3A_191 = arith.extui %sign3A_190 : i1 to i32
    %sign3A_192 = arith.constant 0 : i32
    %sign3A_193 = arith.cmpi slt, %add3A_186, %sign3A_192 : i32
    %sign3A_194 = arith.extui %sign3A_193 : i1 to i32
    %sign3A_195 = arith.subi %sign3A_191, %sign3A_194 : i32
    %sign3A_196 = arith.constant 0 : i32
    %sign3A_197 = arith.cmpi sgt, %jit3A_187, %sign3A_196 : i32
    %sign3A_198 = arith.extui %sign3A_197 : i1 to i32
    %sign3A_199 = arith.constant 0 : i32
    %sign3A_200 = arith.cmpi slt, %jit3A_187, %sign3A_199 : i32
    %sign3A_201 = arith.extui %sign3A_200 : i1 to i32
    %sign3A_202 = arith.subi %sign3A_198, %sign3A_201 : i32
    %ne3A_203 = arith.cmpi ne, %sign3A_195, %sign3A_202 : i32
    %rem3A_204 = arith.remsi %add3A_186, %jit3A_187 : i32
    %ne3A_205 = arith.constant 0 : i32
    %ne3A_206 = arith.cmpi ne, %rem3A_204, %ne3A_205 : i32
    %and3A_207 = arith.andi %ne3A_203, %ne3A_206 : i1
    %sub3A_208 = arith.constant 1 : i32
    %sub3A_209 = arith.subi %div3A_188, %sub3A_208 : i32
    %select_n3A_210 = arith.select %and3A_207, %sub3A_209, %div3A_188 : i32
    %add3A_211 = arith.constant 80 : i32
    %add3A_212 = arith.addi %mul3A_2, %add3A_211 : i32
    %jit3A_213 = arith.constant 4096 : i32
    %eq3A_214 = arith.constant 0 : i32
    %eq3A_215 = arith.cmpi eq, %jit3A_213, %eq3A_214 : i32
    %jit3A_216 = arith.constant 1 : i32
    %select_n3A_217 = arith.select %eq3A_215, %jit3A_216, %jit3A_213 : i32
    %rem3A_218 = arith.remsi %add3A_212, %select_n3A_217 : i32
    %ne3A_219 = arith.constant 0 : i32
    %ne3A_220 = arith.cmpi ne, %rem3A_218, %ne3A_219 : i32
    %lt3A_221 = arith.constant 0 : i32
    %lt3A_222 = arith.cmpi slt, %rem3A_218, %lt3A_221 : i32
    %lt3A_223 = arith.constant 0 : i32
    %lt3A_224 = arith.cmpi slt, %select_n3A_217, %lt3A_223 : i32
    %ne3A_225 = arith.xori %lt3A_222, %lt3A_224 : i1
    %and3A_226 = arith.andi %ne3A_225, %ne3A_220 : i1
    %add3A_227 = arith.addi %rem3A_218, %select_n3A_217 : i32
    %select_n3A_228 = arith.select %and3A_226, %add3A_227, %rem3A_218 : i32
    %dma_start3A_229 = arith.constant 0 : i32
    %dma_start3A_230 = tpu.memref_slice %arg4[%select_n3A_210, %select_n3A_228, %dma_start3A_229] : memref<4x4096x1024xf32, #tpu.memory_space<hbm>> -> memref<1x40x1024xf32, #tpu.memory_space<hbm>>
    %dma_start3A_231 = tpu.memref_squeeze %dma_start3A_230 : memref<1x40x1024xf32, #tpu.memory_space<hbm>> -> memref<40x1024xf32, #tpu.memory_space<hbm>>
    %dma_start3A_232 = arith.constant 0 : i32
    %dma_start3A_233 = tpu.memref_slice %arg4[%select_n3A_210, %select_n3A_228, %dma_start3A_232] : memref<4x4096x1024xf32, #tpu.memory_space<hbm>> -> memref<1x40x1024xf32, #tpu.memory_space<hbm>>
    %dma_start3A_234 = tpu.memref_squeeze %dma_start3A_233 : memref<1x40x1024xf32, #tpu.memory_space<hbm>> -> memref<40x1024xf32, #tpu.memory_space<hbm>>
    tpu.enqueue_dma source(%arg8 : memref<40x1024xf32, #tpu.memory_space<vmem>>) target(%dma_start3A_234 : memref<40x1024xf32, #tpu.memory_space<hbm>>) target_semaphore(%arg14 : memref<!tpu.dma_semaphore, #tpu.memory_space<semaphore_mem>>)
    %dma_wait3A_235 = arith.constant 0 : i32
    %dma_wait3A_236 = tpu.memref_slice %arg4[%select_n3A_210, %select_n3A_228, %dma_wait3A_235] : memref<4x4096x1024xf32, #tpu.memory_space<hbm>> -> memref<1x40x1024xf32, #tpu.memory_space<hbm>>
    %dma_wait3A_237 = tpu.memref_squeeze %dma_wait3A_236 : memref<1x40x1024xf32, #tpu.memory_space<hbm>> -> memref<40x1024xf32, #tpu.memory_space<hbm>>
    %dma_wait3A_238 = arith.constant 0 : i32
    %dma_wait3A_239 = tpu.memref_slice %arg4[%select_n3A_210, %select_n3A_228, %dma_wait3A_238] : memref<4x4096x1024xf32, #tpu.memory_space<hbm>> -> memref<1x40x1024xf32, #tpu.memory_space<hbm>>
    %dma_wait3A_240 = tpu.memref_squeeze %dma_wait3A_239 : memref<1x40x1024xf32, #tpu.memory_space<hbm>> -> memref<40x1024xf32, #tpu.memory_space<hbm>>
    tpu.wait_dma2 semaphore(%arg14 : memref<!tpu.dma_semaphore, #tpu.memory_space<semaphore_mem>>) src(%arg8 : memref<40x1024xf32, #tpu.memory_space<vmem>>) dst(%dma_wait3A_240 : memref<40x1024xf32, #tpu.memory_space<hbm>>)
    %dma_start3A_241 = arith.constant 200 : i32
    %dma_start3A_242 = tpu.memref_slice %arg5[%dma_start3A_241] : memref<512xi32, #tpu.memory_space<vmem>> -> memref<40xi32, #tpu.memory_space<vmem>>
    %dma_start3A_243 = arith.constant 0 : i32
    %dma_start3A_244 = arith.constant 0 : i32
    %dma_start3A_245 = tpu.memref_slice %arg3[%dma_start3A_243, %dma_start3A_244] : memref<100000x1024xf32, #tpu.memory_space<hbm>> -> memref<100000x1024xf32, #tpu.memory_space<hbm>>
    tpu.enqueue_indirect_dma source(%dma_start3A_245 : memref<100000x1024xf32, #tpu.memory_space<hbm>>) target(%arg8 : memref<40x1024xf32, #tpu.memory_space<vmem>>) offsets(%dma_start3A_242 : memref<40xi32, #tpu.memory_space<vmem>>) semaphore(%arg11 : memref<!tpu.dma_semaphore, #tpu.memory_space<semaphore_mem>>)
    %dma_wait3A_246 = arith.constant 120 : i32
    %dma_wait3A_247 = tpu.memref_slice %arg5[%dma_wait3A_246] : memref<512xi32, #tpu.memory_space<vmem>> -> memref<40xi32, #tpu.memory_space<vmem>>
    %dma_wait3A_248 = arith.constant 0 : i32
    %dma_wait3A_249 = arith.constant 0 : i32
    %dma_wait3A_250 = tpu.memref_slice %arg3[%dma_wait3A_248, %dma_wait3A_249] : memref<100000x1024xf32, #tpu.memory_space<hbm>> -> memref<100000x1024xf32, #tpu.memory_space<hbm>>
    tpu.wait_indirect_dma semaphore(%arg9 : memref<!tpu.dma_semaphore, #tpu.memory_space<semaphore_mem>>) src(%dma_wait3A_250 : memref<100000x1024xf32, #tpu.memory_space<hbm>>) dst(%arg6 : memref<40x1024xf32, #tpu.memory_space<vmem>>)
    %add3A_251 = arith.constant 120 : i32
    %add3A_252 = arith.addi %mul3A_2, %add3A_251 : i32
    %jit3A_253 = arith.constant 4096 : i32
    %div3A_254 = arith.divsi %add3A_252, %jit3A_253 : i32
    %sign3A_255 = arith.constant 0 : i32
    %sign3A_256 = arith.cmpi sgt, %add3A_252, %sign3A_255 : i32
    %sign3A_257 = arith.extui %sign3A_256 : i1 to i32
    %sign3A_258 = arith.constant 0 : i32
    %sign3A_259 = arith.cmpi slt, %add3A_252, %sign3A_258 : i32
    %sign3A_260 = arith.extui %sign3A_259 : i1 to i32
    %sign3A_261 = arith.subi %sign3A_257, %sign3A_260 : i32
    %sign3A_262 = arith.constant 0 : i32
    %sign3A_263 = arith.cmpi sgt, %jit3A_253, %sign3A_262 : i32
    %sign3A_264 = arith.extui %sign3A_263 : i1 to i32
    %sign3A_265 = arith.constant 0 : i32
    %sign3A_266 = arith.cmpi slt, %jit3A_253, %sign3A_265 : i32
    %sign3A_267 = arith.extui %sign3A_266 : i1 to i32
    %sign3A_268 = arith.subi %sign3A_264, %sign3A_267 : i32
    %ne3A_269 = arith.cmpi ne, %sign3A_261, %sign3A_268 : i32
    %rem3A_270 = arith.remsi %add3A_252, %jit3A_253 : i32
    %ne3A_271 = arith.constant 0 : i32
    %ne3A_272 = arith.cmpi ne, %rem3A_270, %ne3A_271 : i32
    %and3A_273 = arith.andi %ne3A_269, %ne3A_272 : i1
    %sub3A_274 = arith.constant 1 : i32
    %sub3A_275 = arith.subi %div3A_254, %sub3A_274 : i32
    %select_n3A_276 = arith.select %and3A_273, %sub3A_275, %div3A_254 : i32
    %add3A_277 = arith.constant 120 : i32
    %add3A_278 = arith.addi %mul3A_2, %add3A_277 : i32
    %jit3A_279 = arith.constant 4096 : i32
    %eq3A_280 = arith.constant 0 : i32
    %eq3A_281 = arith.cmpi eq, %jit3A_279, %eq3A_280 : i32
    %jit3A_282 = arith.constant 1 : i32
    %select_n3A_283 = arith.select %eq3A_281, %jit3A_282, %jit3A_279 : i32
    %rem3A_284 = arith.remsi %add3A_278, %select_n3A_283 : i32
    %ne3A_285 = arith.constant 0 : i32
    %ne3A_286 = arith.cmpi ne, %rem3A_284, %ne3A_285 : i32
    %lt3A_287 = arith.constant 0 : i32
    %lt3A_288 = arith.cmpi slt, %rem3A_284, %lt3A_287 : i32
    %lt3A_289 = arith.constant 0 : i32
    %lt3A_290 = arith.cmpi slt, %select_n3A_283, %lt3A_289 : i32
    %ne3A_291 = arith.xori %lt3A_288, %lt3A_290 : i1
    %and3A_292 = arith.andi %ne3A_291, %ne3A_286 : i1
    %add3A_293 = arith.addi %rem3A_284, %select_n3A_283 : i32
    %select_n3A_294 = arith.select %and3A_292, %add3A_293, %rem3A_284 : i32
    %dma_start3A_295 = arith.constant 0 : i32
    %dma_start3A_296 = tpu.memref_slice %arg4[%select_n3A_276, %select_n3A_294, %dma_start3A_295] : memref<4x4096x1024xf32, #tpu.memory_space<hbm>> -> memref<1x40x1024xf32, #tpu.memory_space<hbm>>
    %dma_start3A_297 = tpu.memref_squeeze %dma_start3A_296 : memref<1x40x1024xf32, #tpu.memory_space<hbm>> -> memref<40x1024xf32, #tpu.memory_space<hbm>>
    %dma_start3A_298 = arith.constant 0 : i32
    %dma_start3A_299 = tpu.memref_slice %arg4[%select_n3A_276, %select_n3A_294, %dma_start3A_298] : memref<4x4096x1024xf32, #tpu.memory_space<hbm>> -> memref<1x40x1024xf32, #tpu.memory_space<hbm>>
    %dma_start3A_300 = tpu.memref_squeeze %dma_start3A_299 : memref<1x40x1024xf32, #tpu.memory_space<hbm>> -> memref<40x1024xf32, #tpu.memory_space<hbm>>
    tpu.enqueue_dma source(%arg6 : memref<40x1024xf32, #tpu.memory_space<vmem>>) target(%dma_start3A_300 : memref<40x1024xf32, #tpu.memory_space<hbm>>) target_semaphore(%arg12 : memref<!tpu.dma_semaphore, #tpu.memory_space<semaphore_mem>>)
    %dma_wait3A_301 = arith.constant 0 : i32
    %dma_wait3A_302 = tpu.memref_slice %arg4[%select_n3A_276, %select_n3A_294, %dma_wait3A_301] : memref<4x4096x1024xf32, #tpu.memory_space<hbm>> -> memref<1x40x1024xf32, #tpu.memory_space<hbm>>
    %dma_wait3A_303 = tpu.memref_squeeze %dma_wait3A_302 : memref<1x40x1024xf32, #tpu.memory_space<hbm>> -> memref<40x1024xf32, #tpu.memory_space<hbm>>
    %dma_wait3A_304 = arith.constant 0 : i32
    %dma_wait3A_305 = tpu.memref_slice %arg4[%select_n3A_276, %select_n3A_294, %dma_wait3A_304] : memref<4x4096x1024xf32, #tpu.memory_space<hbm>> -> memref<1x40x1024xf32, #tpu.memory_space<hbm>>
    %dma_wait3A_306 = tpu.memref_squeeze %dma_wait3A_305 : memref<1x40x1024xf32, #tpu.memory_space<hbm>> -> memref<40x1024xf32, #tpu.memory_space<hbm>>
    tpu.wait_dma2 semaphore(%arg12 : memref<!tpu.dma_semaphore, #tpu.memory_space<semaphore_mem>>) src(%arg6 : memref<40x1024xf32, #tpu.memory_space<vmem>>) dst(%dma_wait3A_306 : memref<40x1024xf32, #tpu.memory_space<hbm>>)
    %dma_start3A_307 = arith.constant 240 : i32
    %dma_start3A_308 = tpu.memref_slice %arg5[%dma_start3A_307] : memref<512xi32, #tpu.memory_space<vmem>> -> memref<40xi32, #tpu.memory_space<vmem>>
    %dma_start3A_309 = arith.constant 0 : i32
    %dma_start3A_310 = arith.constant 0 : i32
    %dma_start3A_311 = tpu.memref_slice %arg3[%dma_start3A_309, %dma_start3A_310] : memref<100000x1024xf32, #tpu.memory_space<hbm>> -> memref<100000x1024xf32, #tpu.memory_space<hbm>>
    tpu.enqueue_indirect_dma source(%dma_start3A_311 : memref<100000x1024xf32, #tpu.memory_space<hbm>>) target(%arg6 : memref<40x1024xf32, #tpu.memory_space<vmem>>) offsets(%dma_start3A_308 : memref<40xi32, #tpu.memory_space<vmem>>) semaphore(%arg9 : memref<!tpu.dma_semaphore, #tpu.memory_space<semaphore_mem>>)
    %dma_wait3A_312 = arith.constant 160 : i32
    %dma_wait3A_313 = tpu.memref_slice %arg5[%dma_wait3A_312] : memref<512xi32, #tpu.memory_space<vmem>> -> memref<40xi32, #tpu.memory_space<vmem>>
    %dma_wait3A_314 = arith.constant 0 : i32
    %dma_wait3A_315 = arith.constant 0 : i32
    %dma_wait3A_316 = tpu.memref_slice %arg3[%dma_wait3A_314, %dma_wait3A_315] : memref<100000x1024xf32, #tpu.memory_space<hbm>> -> memref<100000x1024xf32, #tpu.memory_space<hbm>>
    tpu.wait_indirect_dma semaphore(%arg10 : memref<!tpu.dma_semaphore, #tpu.memory_space<semaphore_mem>>) src(%dma_wait3A_316 : memref<100000x1024xf32, #tpu.memory_space<hbm>>) dst(%arg7 : memref<40x1024xf32, #tpu.memory_space<vmem>>)
    %add3A_317 = arith.constant 160 : i32
    %add3A_318 = arith.addi %mul3A_2, %add3A_317 : i32
    %jit3A_319 = arith.constant 4096 : i32
    %div3A_320 = arith.divsi %add3A_318, %jit3A_319 : i32
    %sign3A_321 = arith.constant 0 : i32
    %sign3A_322 = arith.cmpi sgt, %add3A_318, %sign3A_321 : i32
    %sign3A_323 = arith.extui %sign3A_322 : i1 to i32
    %sign3A_324 = arith.constant 0 : i32
    %sign3A_325 = arith.cmpi slt, %add3A_318, %sign3A_324 : i32
    %sign3A_326 = arith.extui %sign3A_325 : i1 to i32
    %sign3A_327 = arith.subi %sign3A_323, %sign3A_326 : i32
    %sign3A_328 = arith.constant 0 : i32
    %sign3A_329 = arith.cmpi sgt, %jit3A_319, %sign3A_328 : i32
    %sign3A_330 = arith.extui %sign3A_329 : i1 to i32
    %sign3A_331 = arith.constant 0 : i32
    %sign3A_332 = arith.cmpi slt, %jit3A_319, %sign3A_331 : i32
    %sign3A_333 = arith.extui %sign3A_332 : i1 to i32
    %sign3A_334 = arith.subi %sign3A_330, %sign3A_333 : i32
    %ne3A_335 = arith.cmpi ne, %sign3A_327, %sign3A_334 : i32
    %rem3A_336 = arith.remsi %add3A_318, %jit3A_319 : i32
    %ne3A_337 = arith.constant 0 : i32
    %ne3A_338 = arith.cmpi ne, %rem3A_336, %ne3A_337 : i32
    %and3A_339 = arith.andi %ne3A_335, %ne3A_338 : i1
    %sub3A_340 = arith.constant 1 : i32
    %sub3A_341 = arith.subi %div3A_320, %sub3A_340 : i32
    %select_n3A_342 = arith.select %and3A_339, %sub3A_341, %div3A_320 : i32
    %add3A_343 = arith.constant 160 : i32
    %add3A_344 = arith.addi %mul3A_2, %add3A_343 : i32
    %jit3A_345 = arith.constant 4096 : i32
    %eq3A_346 = arith.constant 0 : i32
    %eq3A_347 = arith.cmpi eq, %jit3A_345, %eq3A_346 : i32
    %jit3A_348 = arith.constant 1 : i32
    %select_n3A_349 = arith.select %eq3A_347, %jit3A_348, %jit3A_345 : i32
    %rem3A_350 = arith.remsi %add3A_344, %select_n3A_349 : i32
    %ne3A_351 = arith.constant 0 : i32
    %ne3A_352 = arith.cmpi ne, %rem3A_350, %ne3A_351 : i32
    %lt3A_353 = arith.constant 0 : i32
    %lt3A_354 = arith.cmpi slt, %rem3A_350, %lt3A_353 : i32
    %lt3A_355 = arith.constant 0 : i32
    %lt3A_356 = arith.cmpi slt, %select_n3A_349, %lt3A_355 : i32
    %ne3A_357 = arith.xori %lt3A_354, %lt3A_356 : i1
    %and3A_358 = arith.andi %ne3A_357, %ne3A_352 : i1
    %add3A_359 = arith.addi %rem3A_350, %select_n3A_349 : i32
    %select_n3A_360 = arith.select %and3A_358, %add3A_359, %rem3A_350 : i32
    %dma_start3A_361 = arith.constant 0 : i32
    %dma_start3A_362 = tpu.memref_slice %arg4[%select_n3A_342, %select_n3A_360, %dma_start3A_361] : memref<4x4096x1024xf32, #tpu.memory_space<hbm>> -> memref<1x40x1024xf32, #tpu.memory_space<hbm>>
    %dma_start3A_363 = tpu.memref_squeeze %dma_start3A_362 : memref<1x40x1024xf32, #tpu.memory_space<hbm>> -> memref<40x1024xf32, #tpu.memory_space<hbm>>
    %dma_start3A_364 = arith.constant 0 : i32
    %dma_start3A_365 = tpu.memref_slice %arg4[%select_n3A_342, %select_n3A_360, %dma_start3A_364] : memref<4x4096x1024xf32, #tpu.memory_space<hbm>> -> memref<1x40x1024xf32, #tpu.memory_space<hbm>>
    %dma_start3A_366 = tpu.memref_squeeze %dma_start3A_365 : memref<1x40x1024xf32, #tpu.memory_space<hbm>> -> memref<40x1024xf32, #tpu.memory_space<hbm>>
    tpu.enqueue_dma source(%arg7 : memref<40x1024xf32, #tpu.memory_space<vmem>>) target(%dma_start3A_366 : memref<40x1024xf32, #tpu.memory_space<hbm>>) target_semaphore(%arg13 : memref<!tpu.dma_semaphore, #tpu.memory_space<semaphore_mem>>)
    %dma_wait3A_367 = arith.constant 0 : i32
    %dma_wait3A_368 = tpu.memref_slice %arg4[%select_n3A_342, %select_n3A_360, %dma_wait3A_367] : memref<4x4096x1024xf32, #tpu.memory_space<hbm>> -> memref<1x40x1024xf32, #tpu.memory_space<hbm>>
    %dma_wait3A_369 = tpu.memref_squeeze %dma_wait3A_368 : memref<1x40x1024xf32, #tpu.memory_space<hbm>> -> memref<40x1024xf32, #tpu.memory_space<hbm>>
    %dma_wait3A_370 = arith.constant 0 : i32
    %dma_wait3A_371 = tpu.memref_slice %arg4[%select_n3A_342, %select_n3A_360, %dma_wait3A_370] : memref<4x4096x1024xf32, #tpu.memory_space<hbm>> -> memref<1x40x1024xf32, #tpu.memory_space<hbm>>
    %dma_wait3A_372 = tpu.memref_squeeze %dma_wait3A_371 : memref<1x40x1024xf32, #tpu.memory_space<hbm>> -> memref<40x1024xf32, #tpu.memory_space<hbm>>
    tpu.wait_dma2 semaphore(%arg13 : memref<!tpu.dma_semaphore, #tpu.memory_space<semaphore_mem>>) src(%arg7 : memref<40x1024xf32, #tpu.memory_space<vmem>>) dst(%dma_wait3A_372 : memref<40x1024xf32, #tpu.memory_space<hbm>>)
    %dma_start3A_373 = arith.constant 280 : i32
    %dma_start3A_374 = tpu.memref_slice %arg5[%dma_start3A_373] : memref<512xi32, #tpu.memory_space<vmem>> -> memref<40xi32, #tpu.memory_space<vmem>>
    %dma_start3A_375 = arith.constant 0 : i32
    %dma_start3A_376 = arith.constant 0 : i32
    %dma_start3A_377 = tpu.memref_slice %arg3[%dma_start3A_375, %dma_start3A_376] : memref<100000x1024xf32, #tpu.memory_space<hbm>> -> memref<100000x1024xf32, #tpu.memory_space<hbm>>
    tpu.enqueue_indirect_dma source(%dma_start3A_377 : memref<100000x1024xf32, #tpu.memory_space<hbm>>) target(%arg7 : memref<40x1024xf32, #tpu.memory_space<vmem>>) offsets(%dma_start3A_374 : memref<40xi32, #tpu.memory_space<vmem>>) semaphore(%arg10 : memref<!tpu.dma_semaphore, #tpu.memory_space<semaphore_mem>>)
    %dma_wait3A_378 = arith.constant 200 : i32
    %dma_wait3A_379 = tpu.memref_slice %arg5[%dma_wait3A_378] : memref<512xi32, #tpu.memory_space<vmem>> -> memref<40xi32, #tpu.memory_space<vmem>>
    %dma_wait3A_380 = arith.constant 0 : i32
    %dma_wait3A_381 = arith.constant 0 : i32
    %dma_wait3A_382 = tpu.memref_slice %arg3[%dma_wait3A_380, %dma_wait3A_381] : memref<100000x1024xf32, #tpu.memory_space<hbm>> -> memref<100000x1024xf32, #tpu.memory_space<hbm>>
    tpu.wait_indirect_dma semaphore(%arg11 : memref<!tpu.dma_semaphore, #tpu.memory_space<semaphore_mem>>) src(%dma_wait3A_382 : memref<100000x1024xf32, #tpu.memory_space<hbm>>) dst(%arg8 : memref<40x1024xf32, #tpu.memory_space<vmem>>)
    %add3A_383 = arith.constant 200 : i32
    %add3A_384 = arith.addi %mul3A_2, %add3A_383 : i32
    %jit3A_385 = arith.constant 4096 : i32
    %div3A_386 = arith.divsi %add3A_384, %jit3A_385 : i32
    %sign3A_387 = arith.constant 0 : i32
    %sign3A_388 = arith.cmpi sgt, %add3A_384, %sign3A_387 : i32
    %sign3A_389 = arith.extui %sign3A_388 : i1 to i32
    %sign3A_390 = arith.constant 0 : i32
    %sign3A_391 = arith.cmpi slt, %add3A_384, %sign3A_390 : i32
    %sign3A_392 = arith.extui %sign3A_391 : i1 to i32
    %sign3A_393 = arith.subi %sign3A_389, %sign3A_392 : i32
    %sign3A_394 = arith.constant 0 : i32
    %sign3A_395 = arith.cmpi sgt, %jit3A_385, %sign3A_394 : i32
    %sign3A_396 = arith.extui %sign3A_395 : i1 to i32
    %sign3A_397 = arith.constant 0 : i32
    %sign3A_398 = arith.cmpi slt, %jit3A_385, %sign3A_397 : i32
    %sign3A_399 = arith.extui %sign3A_398 : i1 to i32
    %sign3A_400 = arith.subi %sign3A_396, %sign3A_399 : i32
    %ne3A_401 = arith.cmpi ne, %sign3A_393, %sign3A_400 : i32
    %rem3A_402 = arith.remsi %add3A_384, %jit3A_385 : i32
    %ne3A_403 = arith.constant 0 : i32
    %ne3A_404 = arith.cmpi ne, %rem3A_402, %ne3A_403 : i32
    %and3A_405 = arith.andi %ne3A_401, %ne3A_404 : i1
    %sub3A_406 = arith.constant 1 : i32
    %sub3A_407 = arith.subi %div3A_386, %sub3A_406 : i32
    %select_n3A_408 = arith.select %and3A_405, %sub3A_407, %div3A_386 : i32
    %add3A_409 = arith.constant 200 : i32
    %add3A_410 = arith.addi %mul3A_2, %add3A_409 : i32
    %jit3A_411 = arith.constant 4096 : i32
    %eq3A_412 = arith.constant 0 : i32
    %eq3A_413 = arith.cmpi eq, %jit3A_411, %eq3A_412 : i32
    %jit3A_414 = arith.constant 1 : i32
    %select_n3A_415 = arith.select %eq3A_413, %jit3A_414, %jit3A_411 : i32
    %rem3A_416 = arith.remsi %add3A_410, %select_n3A_415 : i32
    %ne3A_417 = arith.constant 0 : i32
    %ne3A_418 = arith.cmpi ne, %rem3A_416, %ne3A_417 : i32
    %lt3A_419 = arith.constant 0 : i32
    %lt3A_420 = arith.cmpi slt, %rem3A_416, %lt3A_419 : i32
    %lt3A_421 = arith.constant 0 : i32
    %lt3A_422 = arith.cmpi slt, %select_n3A_415, %lt3A_421 : i32
    %ne3A_423 = arith.xori %lt3A_420, %lt3A_422 : i1
    %and3A_424 = arith.andi %ne3A_423, %ne3A_418 : i1
    %add3A_425 = arith.addi %rem3A_416, %select_n3A_415 : i32
    %select_n3A_426 = arith.select %and3A_424, %add3A_425, %rem3A_416 : i32
    %dma_start3A_427 = arith.constant 0 : i32
    %dma_start3A_428 = tpu.memref_slice %arg4[%select_n3A_408, %select_n3A_426, %dma_start3A_427] : memref<4x4096x1024xf32, #tpu.memory_space<hbm>> -> memref<1x40x1024xf32, #tpu.memory_space<hbm>>
    %dma_start3A_429 = tpu.memref_squeeze %dma_start3A_428 : memref<1x40x1024xf32, #tpu.memory_space<hbm>> -> memref<40x1024xf32, #tpu.memory_space<hbm>>
    %dma_start3A_430 = arith.constant 0 : i32
    %dma_start3A_431 = tpu.memref_slice %arg4[%select_n3A_408, %select_n3A_426, %dma_start3A_430] : memref<4x4096x1024xf32, #tpu.memory_space<hbm>> -> memref<1x40x1024xf32, #tpu.memory_space<hbm>>
    %dma_start3A_432 = tpu.memref_squeeze %dma_start3A_431 : memref<1x40x1024xf32, #tpu.memory_space<hbm>> -> memref<40x1024xf32, #tpu.memory_space<hbm>>
    tpu.enqueue_dma source(%arg8 : memref<40x1024xf32, #tpu.memory_space<vmem>>) target(%dma_start3A_432 : memref<40x1024xf32, #tpu.memory_space<hbm>>) target_semaphore(%arg14 : memref<!tpu.dma_semaphore, #tpu.memory_space<semaphore_mem>>)
    %dma_wait3A_433 = arith.constant 0 : i32
    %dma_wait3A_434 = tpu.memref_slice %arg4[%select_n3A_408, %select_n3A_426, %dma_wait3A_433] : memref<4x4096x1024xf32, #tpu.memory_space<hbm>> -> memref<1x40x1024xf32, #tpu.memory_space<hbm>>
    %dma_wait3A_435 = tpu.memref_squeeze %dma_wait3A_434 : memref<1x40x1024xf32, #tpu.memory_space<hbm>> -> memref<40x1024xf32, #tpu.memory_space<hbm>>
    %dma_wait3A_436 = arith.constant 0 : i32
    %dma_wait3A_437 = tpu.memref_slice %arg4[%select_n3A_408, %select_n3A_426, %dma_wait3A_436] : memref<4x4096x1024xf32, #tpu.memory_space<hbm>> -> memref<1x40x1024xf32, #tpu.memory_space<hbm>>
    %dma_wait3A_438 = tpu.memref_squeeze %dma_wait3A_437 : memref<1x40x1024xf32, #tpu.memory_space<hbm>> -> memref<40x1024xf32, #tpu.memory_space<hbm>>
    tpu.wait_dma2 semaphore(%arg14 : memref<!tpu.dma_semaphore, #tpu.memory_space<semaphore_mem>>) src(%arg8 : memref<40x1024xf32, #tpu.memory_space<vmem>>) dst(%dma_wait3A_438 : memref<40x1024xf32, #tpu.memory_space<hbm>>)
    %dma_start3A_439 = arith.constant 320 : i32
    %dma_start3A_440 = tpu.memref_slice %arg5[%dma_start3A_439] : memref<512xi32, #tpu.memory_space<vmem>> -> memref<40xi32, #tpu.memory_space<vmem>>
    %dma_start3A_441 = arith.constant 0 : i32
    %dma_start3A_442 = arith.constant 0 : i32
    %dma_start3A_443 = tpu.memref_slice %arg3[%dma_start3A_441, %dma_start3A_442] : memref<100000x1024xf32, #tpu.memory_space<hbm>> -> memref<100000x1024xf32, #tpu.memory_space<hbm>>
    tpu.enqueue_indirect_dma source(%dma_start3A_443 : memref<100000x1024xf32, #tpu.memory_space<hbm>>) target(%arg8 : memref<40x1024xf32, #tpu.memory_space<vmem>>) offsets(%dma_start3A_440 : memref<40xi32, #tpu.memory_space<vmem>>) semaphore(%arg11 : memref<!tpu.dma_semaphore, #tpu.memory_space<semaphore_mem>>)
    %dma_wait3A_444 = arith.constant 240 : i32
    %dma_wait3A_445 = tpu.memref_slice %arg5[%dma_wait3A_444] : memref<512xi32, #tpu.memory_space<vmem>> -> memref<40xi32, #tpu.memory_space<vmem>>
    %dma_wait3A_446 = arith.constant 0 : i32
    %dma_wait3A_447 = arith.constant 0 : i32
    %dma_wait3A_448 = tpu.memref_slice %arg3[%dma_wait3A_446, %dma_wait3A_447] : memref<100000x1024xf32, #tpu.memory_space<hbm>> -> memref<100000x1024xf32, #tpu.memory_space<hbm>>
    tpu.wait_indirect_dma semaphore(%arg9 : memref<!tpu.dma_semaphore, #tpu.memory_space<semaphore_mem>>) src(%dma_wait3A_448 : memref<100000x1024xf32, #tpu.memory_space<hbm>>) dst(%arg6 : memref<40x1024xf32, #tpu.memory_space<vmem>>)
    %add3A_449 = arith.constant 240 : i32
    %add3A_450 = arith.addi %mul3A_2, %add3A_449 : i32
    %jit3A_451 = arith.constant 4096 : i32
    %div3A_452 = arith.divsi %add3A_450, %jit3A_451 : i32
    %sign3A_453 = arith.constant 0 : i32
    %sign3A_454 = arith.cmpi sgt, %add3A_450, %sign3A_453 : i32
    %sign3A_455 = arith.extui %sign3A_454 : i1 to i32
    %sign3A_456 = arith.constant 0 : i32
    %sign3A_457 = arith.cmpi slt, %add3A_450, %sign3A_456 : i32
    %sign3A_458 = arith.extui %sign3A_457 : i1 to i32
    %sign3A_459 = arith.subi %sign3A_455, %sign3A_458 : i32
    %sign3A_460 = arith.constant 0 : i32
    %sign3A_461 = arith.cmpi sgt, %jit3A_451, %sign3A_460 : i32
    %sign3A_462 = arith.extui %sign3A_461 : i1 to i32
    %sign3A_463 = arith.constant 0 : i32
    %sign3A_464 = arith.cmpi slt, %jit3A_451, %sign3A_463 : i32
    %sign3A_465 = arith.extui %sign3A_464 : i1 to i32
    %sign3A_466 = arith.subi %sign3A_462, %sign3A_465 : i32
    %ne3A_467 = arith.cmpi ne, %sign3A_459, %sign3A_466 : i32
    %rem3A_468 = arith.remsi %add3A_450, %jit3A_451 : i32
    %ne3A_469 = arith.constant 0 : i32
    %ne3A_470 = arith.cmpi ne, %rem3A_468, %ne3A_469 : i32
    %and3A_471 = arith.andi %ne3A_467, %ne3A_470 : i1
    %sub3A_472 = arith.constant 1 : i32
    %sub3A_473 = arith.subi %div3A_452, %sub3A_472 : i32
    %select_n3A_474 = arith.select %and3A_471, %sub3A_473, %div3A_452 : i32
    %add3A_475 = arith.constant 240 : i32
    %add3A_476 = arith.addi %mul3A_2, %add3A_475 : i32
    %jit3A_477 = arith.constant 4096 : i32
    %eq3A_478 = arith.constant 0 : i32
    %eq3A_479 = arith.cmpi eq, %jit3A_477, %eq3A_478 : i32
    %jit3A_480 = arith.constant 1 : i32
    %select_n3A_481 = arith.select %eq3A_479, %jit3A_480, %jit3A_477 : i32
    %rem3A_482 = arith.remsi %add3A_476, %select_n3A_481 : i32
    %ne3A_483 = arith.constant 0 : i32
    %ne3A_484 = arith.cmpi ne, %rem3A_482, %ne3A_483 : i32
    %lt3A_485 = arith.constant 0 : i32
    %lt3A_486 = arith.cmpi slt, %rem3A_482, %lt3A_485 : i32
    %lt3A_487 = arith.constant 0 : i32
    %lt3A_488 = arith.cmpi slt, %select_n3A_481, %lt3A_487 : i32
    %ne3A_489 = arith.xori %lt3A_486, %lt3A_488 : i1
    %and3A_490 = arith.andi %ne3A_489, %ne3A_484 : i1
    %add3A_491 = arith.addi %rem3A_482, %select_n3A_481 : i32
    %select_n3A_492 = arith.select %and3A_490, %add3A_491, %rem3A_482 : i32
    %dma_start3A_493 = arith.constant 0 : i32
    %dma_start3A_494 = tpu.memref_slice %arg4[%select_n3A_474, %select_n3A_492, %dma_start3A_493] : memref<4x4096x1024xf32, #tpu.memory_space<hbm>> -> memref<1x40x1024xf32, #tpu.memory_space<hbm>>
    %dma_start3A_495 = tpu.memref_squeeze %dma_start3A_494 : memref<1x40x1024xf32, #tpu.memory_space<hbm>> -> memref<40x1024xf32, #tpu.memory_space<hbm>>
    %dma_start3A_496 = arith.constant 0 : i32
    %dma_start3A_497 = tpu.memref_slice %arg4[%select_n3A_474, %select_n3A_492, %dma_start3A_496] : memref<4x4096x1024xf32, #tpu.memory_space<hbm>> -> memref<1x40x1024xf32, #tpu.memory_space<hbm>>
    %dma_start3A_498 = tpu.memref_squeeze %dma_start3A_497 : memref<1x40x1024xf32, #tpu.memory_space<hbm>> -> memref<40x1024xf32, #tpu.memory_space<hbm>>
    tpu.enqueue_dma source(%arg6 : memref<40x1024xf32, #tpu.memory_space<vmem>>) target(%dma_start3A_498 : memref<40x1024xf32, #tpu.memory_space<hbm>>) target_semaphore(%arg12 : memref<!tpu.dma_semaphore, #tpu.memory_space<semaphore_mem>>)
    %dma_wait3A_499 = arith.constant 0 : i32
    %dma_wait3A_500 = tpu.memref_slice %arg4[%select_n3A_474, %select_n3A_492, %dma_wait3A_499] : memref<4x4096x1024xf32, #tpu.memory_space<hbm>> -> memref<1x40x1024xf32, #tpu.memory_space<hbm>>
    %dma_wait3A_501 = tpu.memref_squeeze %dma_wait3A_500 : memref<1x40x1024xf32, #tpu.memory_space<hbm>> -> memref<40x1024xf32, #tpu.memory_space<hbm>>
    %dma_wait3A_502 = arith.constant 0 : i32
    %dma_wait3A_503 = tpu.memref_slice %arg4[%select_n3A_474, %select_n3A_492, %dma_wait3A_502] : memref<4x4096x1024xf32, #tpu.memory_space<hbm>> -> memref<1x40x1024xf32, #tpu.memory_space<hbm>>
    %dma_wait3A_504 = tpu.memref_squeeze %dma_wait3A_503 : memref<1x40x1024xf32, #tpu.memory_space<hbm>> -> memref<40x1024xf32, #tpu.memory_space<hbm>>
    tpu.wait_dma2 semaphore(%arg12 : memref<!tpu.dma_semaphore, #tpu.memory_space<semaphore_mem>>) src(%arg6 : memref<40x1024xf32, #tpu.memory_space<vmem>>) dst(%dma_wait3A_504 : memref<40x1024xf32, #tpu.memory_space<hbm>>)
    %dma_start3A_505 = arith.constant 360 : i32
    %dma_start3A_506 = tpu.memref_slice %arg5[%dma_start3A_505] : memref<512xi32, #tpu.memory_space<vmem>> -> memref<40xi32, #tpu.memory_space<vmem>>
    %dma_start3A_507 = arith.constant 0 : i32
    %dma_start3A_508 = arith.constant 0 : i32
    %dma_start3A_509 = tpu.memref_slice %arg3[%dma_start3A_507, %dma_start3A_508] : memref<100000x1024xf32, #tpu.memory_space<hbm>> -> memref<100000x1024xf32, #tpu.memory_space<hbm>>
    tpu.enqueue_indirect_dma source(%dma_start3A_509 : memref<100000x1024xf32, #tpu.memory_space<hbm>>) target(%arg6 : memref<40x1024xf32, #tpu.memory_space<vmem>>) offsets(%dma_start3A_506 : memref<40xi32, #tpu.memory_space<vmem>>) semaphore(%arg9 : memref<!tpu.dma_semaphore, #tpu.memory_space<semaphore_mem>>)
    %dma_wait3A_510 = arith.constant 280 : i32
    %dma_wait3A_511 = tpu.memref_slice %arg5[%dma_wait3A_510] : memref<512xi32, #tpu.memory_space<vmem>> -> memref<40xi32, #tpu.memory_space<vmem>>
    %dma_wait3A_512 = arith.constant 0 : i32
    %dma_wait3A_513 = arith.constant 0 : i32
    %dma_wait3A_514 = tpu.memref_slice %arg3[%dma_wait3A_512, %dma_wait3A_513] : memref<100000x1024xf32, #tpu.memory_space<hbm>> -> memref<100000x1024xf32, #tpu.memory_space<hbm>>
    tpu.wait_indirect_dma semaphore(%arg10 : memref<!tpu.dma_semaphore, #tpu.memory_space<semaphore_mem>>) src(%dma_wait3A_514 : memref<100000x1024xf32, #tpu.memory_space<hbm>>) dst(%arg7 : memref<40x1024xf32, #tpu.memory_space<vmem>>)
    %add3A_515 = arith.constant 280 : i32
    %add3A_516 = arith.addi %mul3A_2, %add3A_515 : i32
    %jit3A_517 = arith.constant 4096 : i32
    %div3A_518 = arith.divsi %add3A_516, %jit3A_517 : i32
    %sign3A_519 = arith.constant 0 : i32
    %sign3A_520 = arith.cmpi sgt, %add3A_516, %sign3A_519 : i32
    %sign3A_521 = arith.extui %sign3A_520 : i1 to i32
    %sign3A_522 = arith.constant 0 : i32
    %sign3A_523 = arith.cmpi slt, %add3A_516, %sign3A_522 : i32
    %sign3A_524 = arith.extui %sign3A_523 : i1 to i32
    %sign3A_525 = arith.subi %sign3A_521, %sign3A_524 : i32
    %sign3A_526 = arith.constant 0 : i32
    %sign3A_527 = arith.cmpi sgt, %jit3A_517, %sign3A_526 : i32
    %sign3A_528 = arith.extui %sign3A_527 : i1 to i32
    %sign3A_529 = arith.constant 0 : i32
    %sign3A_530 = arith.cmpi slt, %jit3A_517, %sign3A_529 : i32
    %sign3A_531 = arith.extui %sign3A_530 : i1 to i32
    %sign3A_532 = arith.subi %sign3A_528, %sign3A_531 : i32
    %ne3A_533 = arith.cmpi ne, %sign3A_525, %sign3A_532 : i32
    %rem3A_534 = arith.remsi %add3A_516, %jit3A_517 : i32
    %ne3A_535 = arith.constant 0 : i32
    %ne3A_536 = arith.cmpi ne, %rem3A_534, %ne3A_535 : i32
    %and3A_537 = arith.andi %ne3A_533, %ne3A_536 : i1
    %sub3A_538 = arith.constant 1 : i32
    %sub3A_539 = arith.subi %div3A_518, %sub3A_538 : i32
    %select_n3A_540 = arith.select %and3A_537, %sub3A_539, %div3A_518 : i32
    %add3A_541 = arith.constant 280 : i32
    %add3A_542 = arith.addi %mul3A_2, %add3A_541 : i32
    %jit3A_543 = arith.constant 4096 : i32
    %eq3A_544 = arith.constant 0 : i32
    %eq3A_545 = arith.cmpi eq, %jit3A_543, %eq3A_544 : i32
    %jit3A_546 = arith.constant 1 : i32
    %select_n3A_547 = arith.select %eq3A_545, %jit3A_546, %jit3A_543 : i32
    %rem3A_548 = arith.remsi %add3A_542, %select_n3A_547 : i32
    %ne3A_549 = arith.constant 0 : i32
    %ne3A_550 = arith.cmpi ne, %rem3A_548, %ne3A_549 : i32
    %lt3A_551 = arith.constant 0 : i32
    %lt3A_552 = arith.cmpi slt, %rem3A_548, %lt3A_551 : i32
    %lt3A_553 = arith.constant 0 : i32
    %lt3A_554 = arith.cmpi slt, %select_n3A_547, %lt3A_553 : i32
    %ne3A_555 = arith.xori %lt3A_552, %lt3A_554 : i1
    %and3A_556 = arith.andi %ne3A_555, %ne3A_550 : i1
    %add3A_557 = arith.addi %rem3A_548, %select_n3A_547 : i32
    %select_n3A_558 = arith.select %and3A_556, %add3A_557, %rem3A_548 : i32
    %dma_start3A_559 = arith.constant 0 : i32
    %dma_start3A_560 = tpu.memref_slice %arg4[%select_n3A_540, %select_n3A_558, %dma_start3A_559] : memref<4x4096x1024xf32, #tpu.memory_space<hbm>> -> memref<1x40x1024xf32, #tpu.memory_space<hbm>>
    %dma_start3A_561 = tpu.memref_squeeze %dma_start3A_560 : memref<1x40x1024xf32, #tpu.memory_space<hbm>> -> memref<40x1024xf32, #tpu.memory_space<hbm>>
    %dma_start3A_562 = arith.constant 0 : i32
    %dma_start3A_563 = tpu.memref_slice %arg4[%select_n3A_540, %select_n3A_558, %dma_start3A_562] : memref<4x4096x1024xf32, #tpu.memory_space<hbm>> -> memref<1x40x1024xf32, #tpu.memory_space<hbm>>
    %dma_start3A_564 = tpu.memref_squeeze %dma_start3A_563 : memref<1x40x1024xf32, #tpu.memory_space<hbm>> -> memref<40x1024xf32, #tpu.memory_space<hbm>>
    tpu.enqueue_dma source(%arg7 : memref<40x1024xf32, #tpu.memory_space<vmem>>) target(%dma_start3A_564 : memref<40x1024xf32, #tpu.memory_space<hbm>>) target_semaphore(%arg13 : memref<!tpu.dma_semaphore, #tpu.memory_space<semaphore_mem>>)
    %dma_wait3A_565 = arith.constant 0 : i32
    %dma_wait3A_566 = tpu.memref_slice %arg4[%select_n3A_540, %select_n3A_558, %dma_wait3A_565] : memref<4x4096x1024xf32, #tpu.memory_space<hbm>> -> memref<1x40x1024xf32, #tpu.memory_space<hbm>>
    %dma_wait3A_567 = tpu.memref_squeeze %dma_wait3A_566 : memref<1x40x1024xf32, #tpu.memory_space<hbm>> -> memref<40x1024xf32, #tpu.memory_space<hbm>>
    %dma_wait3A_568 = arith.constant 0 : i32
    %dma_wait3A_569 = tpu.memref_slice %arg4[%select_n3A_540, %select_n3A_558, %dma_wait3A_568] : memref<4x4096x1024xf32, #tpu.memory_space<hbm>> -> memref<1x40x1024xf32, #tpu.memory_space<hbm>>
    %dma_wait3A_570 = tpu.memref_squeeze %dma_wait3A_569 : memref<1x40x1024xf32, #tpu.memory_space<hbm>> -> memref<40x1024xf32, #tpu.memory_space<hbm>>
    tpu.wait_dma2 semaphore(%arg13 : memref<!tpu.dma_semaphore, #tpu.memory_space<semaphore_mem>>) src(%arg7 : memref<40x1024xf32, #tpu.memory_space<vmem>>) dst(%dma_wait3A_570 : memref<40x1024xf32, #tpu.memory_space<hbm>>)
    %dma_start3A_571 = arith.constant 400 : i32
    %dma_start3A_572 = tpu.memref_slice %arg5[%dma_start3A_571] : memref<512xi32, #tpu.memory_space<vmem>> -> memref<40xi32, #tpu.memory_space<vmem>>
    %dma_start3A_573 = arith.constant 0 : i32
    %dma_start3A_574 = arith.constant 0 : i32
    %dma_start3A_575 = tpu.memref_slice %arg3[%dma_start3A_573, %dma_start3A_574] : memref<100000x1024xf32, #tpu.memory_space<hbm>> -> memref<100000x1024xf32, #tpu.memory_space<hbm>>
    tpu.enqueue_indirect_dma source(%dma_start3A_575 : memref<100000x1024xf32, #tpu.memory_space<hbm>>) target(%arg7 : memref<40x1024xf32, #tpu.memory_space<vmem>>) offsets(%dma_start3A_572 : memref<40xi32, #tpu.memory_space<vmem>>) semaphore(%arg10 : memref<!tpu.dma_semaphore, #tpu.memory_space<semaphore_mem>>)
    %dma_wait3A_576 = arith.constant 320 : i32
    %dma_wait3A_577 = tpu.memref_slice %arg5[%dma_wait3A_576] : memref<512xi32, #tpu.memory_space<vmem>> -> memref<40xi32, #tpu.memory_space<vmem>>
    %dma_wait3A_578 = arith.constant 0 : i32
    %dma_wait3A_579 = arith.constant 0 : i32
    %dma_wait3A_580 = tpu.memref_slice %arg3[%dma_wait3A_578, %dma_wait3A_579] : memref<100000x1024xf32, #tpu.memory_space<hbm>> -> memref<100000x1024xf32, #tpu.memory_space<hbm>>
    tpu.wait_indirect_dma semaphore(%arg11 : memref<!tpu.dma_semaphore, #tpu.memory_space<semaphore_mem>>) src(%dma_wait3A_580 : memref<100000x1024xf32, #tpu.memory_space<hbm>>) dst(%arg8 : memref<40x1024xf32, #tpu.memory_space<vmem>>)
    %add3A_581 = arith.constant 320 : i32
    %add3A_582 = arith.addi %mul3A_2, %add3A_581 : i32
    %jit3A_583 = arith.constant 4096 : i32
    %div3A_584 = arith.divsi %add3A_582, %jit3A_583 : i32
    %sign3A_585 = arith.constant 0 : i32
    %sign3A_586 = arith.cmpi sgt, %add3A_582, %sign3A_585 : i32
    %sign3A_587 = arith.extui %sign3A_586 : i1 to i32
    %sign3A_588 = arith.constant 0 : i32
    %sign3A_589 = arith.cmpi slt, %add3A_582, %sign3A_588 : i32
    %sign3A_590 = arith.extui %sign3A_589 : i1 to i32
    %sign3A_591 = arith.subi %sign3A_587, %sign3A_590 : i32
    %sign3A_592 = arith.constant 0 : i32
    %sign3A_593 = arith.cmpi sgt, %jit3A_583, %sign3A_592 : i32
    %sign3A_594 = arith.extui %sign3A_593 : i1 to i32
    %sign3A_595 = arith.constant 0 : i32
    %sign3A_596 = arith.cmpi slt, %jit3A_583, %sign3A_595 : i32
    %sign3A_597 = arith.extui %sign3A_596 : i1 to i32
    %sign3A_598 = arith.subi %sign3A_594, %sign3A_597 : i32
    %ne3A_599 = arith.cmpi ne, %sign3A_591, %sign3A_598 : i32
    %rem3A_600 = arith.remsi %add3A_582, %jit3A_583 : i32
    %ne3A_601 = arith.constant 0 : i32
    %ne3A_602 = arith.cmpi ne, %rem3A_600, %ne3A_601 : i32
    %and3A_603 = arith.andi %ne3A_599, %ne3A_602 : i1
    %sub3A_604 = arith.constant 1 : i32
    %sub3A_605 = arith.subi %div3A_584, %sub3A_604 : i32
    %select_n3A_606 = arith.select %and3A_603, %sub3A_605, %div3A_584 : i32
    %add3A_607 = arith.constant 320 : i32
    %add3A_608 = arith.addi %mul3A_2, %add3A_607 : i32
    %jit3A_609 = arith.constant 4096 : i32
    %eq3A_610 = arith.constant 0 : i32
    %eq3A_611 = arith.cmpi eq, %jit3A_609, %eq3A_610 : i32
    %jit3A_612 = arith.constant 1 : i32
    %select_n3A_613 = arith.select %eq3A_611, %jit3A_612, %jit3A_609 : i32
    %rem3A_614 = arith.remsi %add3A_608, %select_n3A_613 : i32
    %ne3A_615 = arith.constant 0 : i32
    %ne3A_616 = arith.cmpi ne, %rem3A_614, %ne3A_615 : i32
    %lt3A_617 = arith.constant 0 : i32
    %lt3A_618 = arith.cmpi slt, %rem3A_614, %lt3A_617 : i32
    %lt3A_619 = arith.constant 0 : i32
    %lt3A_620 = arith.cmpi slt, %select_n3A_613, %lt3A_619 : i32
    %ne3A_621 = arith.xori %lt3A_618, %lt3A_620 : i1
    %and3A_622 = arith.andi %ne3A_621, %ne3A_616 : i1
    %add3A_623 = arith.addi %rem3A_614, %select_n3A_613 : i32
    %select_n3A_624 = arith.select %and3A_622, %add3A_623, %rem3A_614 : i32
    %dma_start3A_625 = arith.constant 0 : i32
    %dma_start3A_626 = tpu.memref_slice %arg4[%select_n3A_606, %select_n3A_624, %dma_start3A_625] : memref<4x4096x1024xf32, #tpu.memory_space<hbm>> -> memref<1x40x1024xf32, #tpu.memory_space<hbm>>
    %dma_start3A_627 = tpu.memref_squeeze %dma_start3A_626 : memref<1x40x1024xf32, #tpu.memory_space<hbm>> -> memref<40x1024xf32, #tpu.memory_space<hbm>>
    %dma_start3A_628 = arith.constant 0 : i32
    %dma_start3A_629 = tpu.memref_slice %arg4[%select_n3A_606, %select_n3A_624, %dma_start3A_628] : memref<4x4096x1024xf32, #tpu.memory_space<hbm>> -> memref<1x40x1024xf32, #tpu.memory_space<hbm>>
    %dma_start3A_630 = tpu.memref_squeeze %dma_start3A_629 : memref<1x40x1024xf32, #tpu.memory_space<hbm>> -> memref<40x1024xf32, #tpu.memory_space<hbm>>
    tpu.enqueue_dma source(%arg8 : memref<40x1024xf32, #tpu.memory_space<vmem>>) target(%dma_start3A_630 : memref<40x1024xf32, #tpu.memory_space<hbm>>) target_semaphore(%arg14 : memref<!tpu.dma_semaphore, #tpu.memory_space<semaphore_mem>>)
    %dma_wait3A_631 = arith.constant 0 : i32
    %dma_wait3A_632 = tpu.memref_slice %arg4[%select_n3A_606, %select_n3A_624, %dma_wait3A_631] : memref<4x4096x1024xf32, #tpu.memory_space<hbm>> -> memref<1x40x1024xf32, #tpu.memory_space<hbm>>
    %dma_wait3A_633 = tpu.memref_squeeze %dma_wait3A_632 : memref<1x40x1024xf32, #tpu.memory_space<hbm>> -> memref<40x1024xf32, #tpu.memory_space<hbm>>
    %dma_wait3A_634 = arith.constant 0 : i32
    %dma_wait3A_635 = tpu.memref_slice %arg4[%select_n3A_606, %select_n3A_624, %dma_wait3A_634] : memref<4x4096x1024xf32, #tpu.memory_space<hbm>> -> memref<1x40x1024xf32, #tpu.memory_space<hbm>>
    %dma_wait3A_636 = tpu.memref_squeeze %dma_wait3A_635 : memref<1x40x1024xf32, #tpu.memory_space<hbm>> -> memref<40x1024xf32, #tpu.memory_space<hbm>>
    tpu.wait_dma2 semaphore(%arg14 : memref<!tpu.dma_semaphore, #tpu.memory_space<semaphore_mem>>) src(%arg8 : memref<40x1024xf32, #tpu.memory_space<vmem>>) dst(%dma_wait3A_636 : memref<40x1024xf32, #tpu.memory_space<hbm>>)
    %dma_start3A_637 = arith.constant 440 : i32
    %dma_start3A_638 = tpu.memref_slice %arg5[%dma_start3A_637] : memref<512xi32, #tpu.memory_space<vmem>> -> memref<40xi32, #tpu.memory_space<vmem>>
    %dma_start3A_639 = arith.constant 0 : i32
    %dma_start3A_640 = arith.constant 0 : i32
    %dma_start3A_641 = tpu.memref_slice %arg3[%dma_start3A_639, %dma_start3A_640] : memref<100000x1024xf32, #tpu.memory_space<hbm>> -> memref<100000x1024xf32, #tpu.memory_space<hbm>>
    tpu.enqueue_indirect_dma source(%dma_start3A_641 : memref<100000x1024xf32, #tpu.memory_space<hbm>>) target(%arg8 : memref<40x1024xf32, #tpu.memory_space<vmem>>) offsets(%dma_start3A_638 : memref<40xi32, #tpu.memory_space<vmem>>) semaphore(%arg11 : memref<!tpu.dma_semaphore, #tpu.memory_space<semaphore_mem>>)
    %dma_wait3A_642 = arith.constant 360 : i32
    %dma_wait3A_643 = tpu.memref_slice %arg5[%dma_wait3A_642] : memref<512xi32, #tpu.memory_space<vmem>> -> memref<40xi32, #tpu.memory_space<vmem>>
    %dma_wait3A_644 = arith.constant 0 : i32
    %dma_wait3A_645 = arith.constant 0 : i32
    %dma_wait3A_646 = tpu.memref_slice %arg3[%dma_wait3A_644, %dma_wait3A_645] : memref<100000x1024xf32, #tpu.memory_space<hbm>> -> memref<100000x1024xf32, #tpu.memory_space<hbm>>
    tpu.wait_indirect_dma semaphore(%arg9 : memref<!tpu.dma_semaphore, #tpu.memory_space<semaphore_mem>>) src(%dma_wait3A_646 : memref<100000x1024xf32, #tpu.memory_space<hbm>>) dst(%arg6 : memref<40x1024xf32, #tpu.memory_space<vmem>>)
    %add3A_647 = arith.constant 360 : i32
    %add3A_648 = arith.addi %mul3A_2, %add3A_647 : i32
    %jit3A_649 = arith.constant 4096 : i32
    %div3A_650 = arith.divsi %add3A_648, %jit3A_649 : i32
    %sign3A_651 = arith.constant 0 : i32
    %sign3A_652 = arith.cmpi sgt, %add3A_648, %sign3A_651 : i32
    %sign3A_653 = arith.extui %sign3A_652 : i1 to i32
    %sign3A_654 = arith.constant 0 : i32
    %sign3A_655 = arith.cmpi slt, %add3A_648, %sign3A_654 : i32
    %sign3A_656 = arith.extui %sign3A_655 : i1 to i32
    %sign3A_657 = arith.subi %sign3A_653, %sign3A_656 : i32
    %sign3A_658 = arith.constant 0 : i32
    %sign3A_659 = arith.cmpi sgt, %jit3A_649, %sign3A_658 : i32
    %sign3A_660 = arith.extui %sign3A_659 : i1 to i32
    %sign3A_661 = arith.constant 0 : i32
    %sign3A_662 = arith.cmpi slt, %jit3A_649, %sign3A_661 : i32
    %sign3A_663 = arith.extui %sign3A_662 : i1 to i32
    %sign3A_664 = arith.subi %sign3A_660, %sign3A_663 : i32
    %ne3A_665 = arith.cmpi ne, %sign3A_657, %sign3A_664 : i32
    %rem3A_666 = arith.remsi %add3A_648, %jit3A_649 : i32
    %ne3A_667 = arith.constant 0 : i32
    %ne3A_668 = arith.cmpi ne, %rem3A_666, %ne3A_667 : i32
    %and3A_669 = arith.andi %ne3A_665, %ne3A_668 : i1
    %sub3A_670 = arith.constant 1 : i32
    %sub3A_671 = arith.subi %div3A_650, %sub3A_670 : i32
    %select_n3A_672 = arith.select %and3A_669, %sub3A_671, %div3A_650 : i32
    %add3A_673 = arith.constant 360 : i32
    %add3A_674 = arith.addi %mul3A_2, %add3A_673 : i32
    %jit3A_675 = arith.constant 4096 : i32
    %eq3A_676 = arith.constant 0 : i32
    %eq3A_677 = arith.cmpi eq, %jit3A_675, %eq3A_676 : i32
    %jit3A_678 = arith.constant 1 : i32
    %select_n3A_679 = arith.select %eq3A_677, %jit3A_678, %jit3A_675 : i32
    %rem3A_680 = arith.remsi %add3A_674, %select_n3A_679 : i32
    %ne3A_681 = arith.constant 0 : i32
    %ne3A_682 = arith.cmpi ne, %rem3A_680, %ne3A_681 : i32
    %lt3A_683 = arith.constant 0 : i32
    %lt3A_684 = arith.cmpi slt, %rem3A_680, %lt3A_683 : i32
    %lt3A_685 = arith.constant 0 : i32
    %lt3A_686 = arith.cmpi slt, %select_n3A_679, %lt3A_685 : i32
    %ne3A_687 = arith.xori %lt3A_684, %lt3A_686 : i1
    %and3A_688 = arith.andi %ne3A_687, %ne3A_682 : i1
    %add3A_689 = arith.addi %rem3A_680, %select_n3A_679 : i32
    %select_n3A_690 = arith.select %and3A_688, %add3A_689, %rem3A_680 : i32
    %dma_start3A_691 = arith.constant 0 : i32
    %dma_start3A_692 = tpu.memref_slice %arg4[%select_n3A_672, %select_n3A_690, %dma_start3A_691] : memref<4x4096x1024xf32, #tpu.memory_space<hbm>> -> memref<1x40x1024xf32, #tpu.memory_space<hbm>>
    %dma_start3A_693 = tpu.memref_squeeze %dma_start3A_692 : memref<1x40x1024xf32, #tpu.memory_space<hbm>> -> memref<40x1024xf32, #tpu.memory_space<hbm>>
    %dma_start3A_694 = arith.constant 0 : i32
    %dma_start3A_695 = tpu.memref_slice %arg4[%select_n3A_672, %select_n3A_690, %dma_start3A_694] : memref<4x4096x1024xf32, #tpu.memory_space<hbm>> -> memref<1x40x1024xf32, #tpu.memory_space<hbm>>
    %dma_start3A_696 = tpu.memref_squeeze %dma_start3A_695 : memref<1x40x1024xf32, #tpu.memory_space<hbm>> -> memref<40x1024xf32, #tpu.memory_space<hbm>>
    tpu.enqueue_dma source(%arg6 : memref<40x1024xf32, #tpu.memory_space<vmem>>) target(%dma_start3A_696 : memref<40x1024xf32, #tpu.memory_space<hbm>>) target_semaphore(%arg12 : memref<!tpu.dma_semaphore, #tpu.memory_space<semaphore_mem>>)
    %dma_wait3A_697 = arith.constant 0 : i32
    %dma_wait3A_698 = tpu.memref_slice %arg4[%select_n3A_672, %select_n3A_690, %dma_wait3A_697] : memref<4x4096x1024xf32, #tpu.memory_space<hbm>> -> memref<1x40x1024xf32, #tpu.memory_space<hbm>>
    %dma_wait3A_699 = tpu.memref_squeeze %dma_wait3A_698 : memref<1x40x1024xf32, #tpu.memory_space<hbm>> -> memref<40x1024xf32, #tpu.memory_space<hbm>>
    %dma_wait3A_700 = arith.constant 0 : i32
    %dma_wait3A_701 = tpu.memref_slice %arg4[%select_n3A_672, %select_n3A_690, %dma_wait3A_700] : memref<4x4096x1024xf32, #tpu.memory_space<hbm>> -> memref<1x40x1024xf32, #tpu.memory_space<hbm>>
    %dma_wait3A_702 = tpu.memref_squeeze %dma_wait3A_701 : memref<1x40x1024xf32, #tpu.memory_space<hbm>> -> memref<40x1024xf32, #tpu.memory_space<hbm>>
    tpu.wait_dma2 semaphore(%arg12 : memref<!tpu.dma_semaphore, #tpu.memory_space<semaphore_mem>>) src(%arg6 : memref<40x1024xf32, #tpu.memory_space<vmem>>) dst(%dma_wait3A_702 : memref<40x1024xf32, #tpu.memory_space<hbm>>)
    %dma_start3A_703 = arith.constant 0 : i32
    %dma_start3A_704 = arith.constant 0 : i32
    %dma_start3A_705 = tpu.memref_slice %arg6[%dma_start3A_703, %dma_start3A_704] : memref<40x1024xf32, #tpu.memory_space<vmem>> -> memref<32x1024xf32, #tpu.memory_space<vmem>>
    %dma_start3A_706 = arith.constant 480 : i32
    %dma_start3A_707 = tpu.memref_slice %arg5[%dma_start3A_706] : memref<512xi32, #tpu.memory_space<vmem>> -> memref<32xi32, #tpu.memory_space<vmem>>
    %dma_start3A_708 = arith.constant 0 : i32
    %dma_start3A_709 = arith.constant 0 : i32
    %dma_start3A_710 = tpu.memref_slice %arg3[%dma_start3A_708, %dma_start3A_709] : memref<100000x1024xf32, #tpu.memory_space<hbm>> -> memref<100000x1024xf32, #tpu.memory_space<hbm>>
    tpu.enqueue_indirect_dma source(%dma_start3A_710 : memref<100000x1024xf32, #tpu.memory_space<hbm>>) target(%dma_start3A_705 : memref<32x1024xf32, #tpu.memory_space<vmem>>) offsets(%dma_start3A_707 : memref<32xi32, #tpu.memory_space<vmem>>) semaphore(%arg9 : memref<!tpu.dma_semaphore, #tpu.memory_space<semaphore_mem>>)
    %dma_wait3A_711 = arith.constant 400 : i32
    %dma_wait3A_712 = tpu.memref_slice %arg5[%dma_wait3A_711] : memref<512xi32, #tpu.memory_space<vmem>> -> memref<40xi32, #tpu.memory_space<vmem>>
    %dma_wait3A_713 = arith.constant 0 : i32
    %dma_wait3A_714 = arith.constant 0 : i32
    %dma_wait3A_715 = tpu.memref_slice %arg3[%dma_wait3A_713, %dma_wait3A_714] : memref<100000x1024xf32, #tpu.memory_space<hbm>> -> memref<100000x1024xf32, #tpu.memory_space<hbm>>
    tpu.wait_indirect_dma semaphore(%arg10 : memref<!tpu.dma_semaphore, #tpu.memory_space<semaphore_mem>>) src(%dma_wait3A_715 : memref<100000x1024xf32, #tpu.memory_space<hbm>>) dst(%arg7 : memref<40x1024xf32, #tpu.memory_space<vmem>>)
    %add3A_716 = arith.constant 400 : i32
    %add3A_717 = arith.addi %mul3A_2, %add3A_716 : i32
    %jit3A_718 = arith.constant 4096 : i32
    %div3A_719 = arith.divsi %add3A_717, %jit3A_718 : i32
    %sign3A_720 = arith.constant 0 : i32
    %sign3A_721 = arith.cmpi sgt, %add3A_717, %sign3A_720 : i32
    %sign3A_722 = arith.extui %sign3A_721 : i1 to i32
    %sign3A_723 = arith.constant 0 : i32
    %sign3A_724 = arith.cmpi slt, %add3A_717, %sign3A_723 : i32
    %sign3A_725 = arith.extui %sign3A_724 : i1 to i32
    %sign3A_726 = arith.subi %sign3A_722, %sign3A_725 : i32
    %sign3A_727 = arith.constant 0 : i32
    %sign3A_728 = arith.cmpi sgt, %jit3A_718, %sign3A_727 : i32
    %sign3A_729 = arith.extui %sign3A_728 : i1 to i32
    %sign3A_730 = arith.constant 0 : i32
    %sign3A_731 = arith.cmpi slt, %jit3A_718, %sign3A_730 : i32
    %sign3A_732 = arith.extui %sign3A_731 : i1 to i32
    %sign3A_733 = arith.subi %sign3A_729, %sign3A_732 : i32
    %ne3A_734 = arith.cmpi ne, %sign3A_726, %sign3A_733 : i32
    %rem3A_735 = arith.remsi %add3A_717, %jit3A_718 : i32
    %ne3A_736 = arith.constant 0 : i32
    %ne3A_737 = arith.cmpi ne, %rem3A_735, %ne3A_736 : i32
    %and3A_738 = arith.andi %ne3A_734, %ne3A_737 : i1
    %sub3A_739 = arith.constant 1 : i32
    %sub3A_740 = arith.subi %div3A_719, %sub3A_739 : i32
    %select_n3A_741 = arith.select %and3A_738, %sub3A_740, %div3A_719 : i32
    %add3A_742 = arith.constant 400 : i32
    %add3A_743 = arith.addi %mul3A_2, %add3A_742 : i32
    %jit3A_744 = arith.constant 4096 : i32
    %eq3A_745 = arith.constant 0 : i32
    %eq3A_746 = arith.cmpi eq, %jit3A_744, %eq3A_745 : i32
    %jit3A_747 = arith.constant 1 : i32
    %select_n3A_748 = arith.select %eq3A_746, %jit3A_747, %jit3A_744 : i32
    %rem3A_749 = arith.remsi %add3A_743, %select_n3A_748 : i32
    %ne3A_750 = arith.constant 0 : i32
    %ne3A_751 = arith.cmpi ne, %rem3A_749, %ne3A_750 : i32
    %lt3A_752 = arith.constant 0 : i32
    %lt3A_753 = arith.cmpi slt, %rem3A_749, %lt3A_752 : i32
    %lt3A_754 = arith.constant 0 : i32
    %lt3A_755 = arith.cmpi slt, %select_n3A_748, %lt3A_754 : i32
    %ne3A_756 = arith.xori %lt3A_753, %lt3A_755 : i1
    %and3A_757 = arith.andi %ne3A_756, %ne3A_751 : i1
    %add3A_758 = arith.addi %rem3A_749, %select_n3A_748 : i32
    %select_n3A_759 = arith.select %and3A_757, %add3A_758, %rem3A_749 : i32
    %dma_start3A_760 = arith.constant 0 : i32
    %dma_start3A_761 = tpu.memref_slice %arg4[%select_n3A_741, %select_n3A_759, %dma_start3A_760] : memref<4x4096x1024xf32, #tpu.memory_space<hbm>> -> memref<1x40x1024xf32, #tpu.memory_space<hbm>>
    %dma_start3A_762 = tpu.memref_squeeze %dma_start3A_761 : memref<1x40x1024xf32, #tpu.memory_space<hbm>> -> memref<40x1024xf32, #tpu.memory_space<hbm>>
    %dma_start3A_763 = arith.constant 0 : i32
    %dma_start3A_764 = tpu.memref_slice %arg4[%select_n3A_741, %select_n3A_759, %dma_start3A_763] : memref<4x4096x1024xf32, #tpu.memory_space<hbm>> -> memref<1x40x1024xf32, #tpu.memory_space<hbm>>
    %dma_start3A_765 = tpu.memref_squeeze %dma_start3A_764 : memref<1x40x1024xf32, #tpu.memory_space<hbm>> -> memref<40x1024xf32, #tpu.memory_space<hbm>>
    tpu.enqueue_dma source(%arg7 : memref<40x1024xf32, #tpu.memory_space<vmem>>) target(%dma_start3A_765 : memref<40x1024xf32, #tpu.memory_space<hbm>>) target_semaphore(%arg13 : memref<!tpu.dma_semaphore, #tpu.memory_space<semaphore_mem>>)
    %dma_wait3A_766 = arith.constant 440 : i32
    %dma_wait3A_767 = tpu.memref_slice %arg5[%dma_wait3A_766] : memref<512xi32, #tpu.memory_space<vmem>> -> memref<40xi32, #tpu.memory_space<vmem>>
    %dma_wait3A_768 = arith.constant 0 : i32
    %dma_wait3A_769 = arith.constant 0 : i32
    %dma_wait3A_770 = tpu.memref_slice %arg3[%dma_wait3A_768, %dma_wait3A_769] : memref<100000x1024xf32, #tpu.memory_space<hbm>> -> memref<100000x1024xf32, #tpu.memory_space<hbm>>
    tpu.wait_indirect_dma semaphore(%arg11 : memref<!tpu.dma_semaphore, #tpu.memory_space<semaphore_mem>>) src(%dma_wait3A_770 : memref<100000x1024xf32, #tpu.memory_space<hbm>>) dst(%arg8 : memref<40x1024xf32, #tpu.memory_space<vmem>>)
    %add3A_771 = arith.constant 440 : i32
    %add3A_772 = arith.addi %mul3A_2, %add3A_771 : i32
    %jit3A_773 = arith.constant 4096 : i32
    %div3A_774 = arith.divsi %add3A_772, %jit3A_773 : i32
    %sign3A_775 = arith.constant 0 : i32
    %sign3A_776 = arith.cmpi sgt, %add3A_772, %sign3A_775 : i32
    %sign3A_777 = arith.extui %sign3A_776 : i1 to i32
    %sign3A_778 = arith.constant 0 : i32
    %sign3A_779 = arith.cmpi slt, %add3A_772, %sign3A_778 : i32
    %sign3A_780 = arith.extui %sign3A_779 : i1 to i32
    %sign3A_781 = arith.subi %sign3A_777, %sign3A_780 : i32
    %sign3A_782 = arith.constant 0 : i32
    %sign3A_783 = arith.cmpi sgt, %jit3A_773, %sign3A_782 : i32
    %sign3A_784 = arith.extui %sign3A_783 : i1 to i32
    %sign3A_785 = arith.constant 0 : i32
    %sign3A_786 = arith.cmpi slt, %jit3A_773, %sign3A_785 : i32
    %sign3A_787 = arith.extui %sign3A_786 : i1 to i32
    %sign3A_788 = arith.subi %sign3A_784, %sign3A_787 : i32
    %ne3A_789 = arith.cmpi ne, %sign3A_781, %sign3A_788 : i32
    %rem3A_790 = arith.remsi %add3A_772, %jit3A_773 : i32
    %ne3A_791 = arith.constant 0 : i32
    %ne3A_792 = arith.cmpi ne, %rem3A_790, %ne3A_791 : i32
    %and3A_793 = arith.andi %ne3A_789, %ne3A_792 : i1
    %sub3A_794 = arith.constant 1 : i32
    %sub3A_795 = arith.subi %div3A_774, %sub3A_794 : i32
    %select_n3A_796 = arith.select %and3A_793, %sub3A_795, %div3A_774 : i32
    %add3A_797 = arith.constant 440 : i32
    %add3A_798 = arith.addi %mul3A_2, %add3A_797 : i32
    %jit3A_799 = arith.constant 4096 : i32
    %eq3A_800 = arith.constant 0 : i32
    %eq3A_801 = arith.cmpi eq, %jit3A_799, %eq3A_800 : i32
    %jit3A_802 = arith.constant 1 : i32
    %select_n3A_803 = arith.select %eq3A_801, %jit3A_802, %jit3A_799 : i32
    %rem3A_804 = arith.remsi %add3A_798, %select_n3A_803 : i32
    %ne3A_805 = arith.constant 0 : i32
    %ne3A_806 = arith.cmpi ne, %rem3A_804, %ne3A_805 : i32
    %lt3A_807 = arith.constant 0 : i32
    %lt3A_808 = arith.cmpi slt, %rem3A_804, %lt3A_807 : i32
    %lt3A_809 = arith.constant 0 : i32
    %lt3A_810 = arith.cmpi slt, %select_n3A_803, %lt3A_809 : i32
    %ne3A_811 = arith.xori %lt3A_808, %lt3A_810 : i1
    %and3A_812 = arith.andi %ne3A_811, %ne3A_806 : i1
    %add3A_813 = arith.addi %rem3A_804, %select_n3A_803 : i32
    %select_n3A_814 = arith.select %and3A_812, %add3A_813, %rem3A_804 : i32
    %dma_start3A_815 = arith.constant 0 : i32
    %dma_start3A_816 = tpu.memref_slice %arg4[%select_n3A_796, %select_n3A_814, %dma_start3A_815] : memref<4x4096x1024xf32, #tpu.memory_space<hbm>> -> memref<1x40x1024xf32, #tpu.memory_space<hbm>>
    %dma_start3A_817 = tpu.memref_squeeze %dma_start3A_816 : memref<1x40x1024xf32, #tpu.memory_space<hbm>> -> memref<40x1024xf32, #tpu.memory_space<hbm>>
    %dma_start3A_818 = arith.constant 0 : i32
    %dma_start3A_819 = tpu.memref_slice %arg4[%select_n3A_796, %select_n3A_814, %dma_start3A_818] : memref<4x4096x1024xf32, #tpu.memory_space<hbm>> -> memref<1x40x1024xf32, #tpu.memory_space<hbm>>
    %dma_start3A_820 = tpu.memref_squeeze %dma_start3A_819 : memref<1x40x1024xf32, #tpu.memory_space<hbm>> -> memref<40x1024xf32, #tpu.memory_space<hbm>>
    tpu.enqueue_dma source(%arg8 : memref<40x1024xf32, #tpu.memory_space<vmem>>) target(%dma_start3A_820 : memref<40x1024xf32, #tpu.memory_space<hbm>>) target_semaphore(%arg14 : memref<!tpu.dma_semaphore, #tpu.memory_space<semaphore_mem>>)
    %dma_wait3A_821 = arith.constant 0 : i32
    %dma_wait3A_822 = arith.constant 0 : i32
    %dma_wait3A_823 = tpu.memref_slice %arg6[%dma_wait3A_821, %dma_wait3A_822] : memref<40x1024xf32, #tpu.memory_space<vmem>> -> memref<32x1024xf32, #tpu.memory_space<vmem>>
    %dma_wait3A_824 = arith.constant 480 : i32
    %dma_wait3A_825 = tpu.memref_slice %arg5[%dma_wait3A_824] : memref<512xi32, #tpu.memory_space<vmem>> -> memref<32xi32, #tpu.memory_space<vmem>>
    %dma_wait3A_826 = arith.constant 0 : i32
    %dma_wait3A_827 = arith.constant 0 : i32
    %dma_wait3A_828 = tpu.memref_slice %arg3[%dma_wait3A_826, %dma_wait3A_827] : memref<100000x1024xf32, #tpu.memory_space<hbm>> -> memref<100000x1024xf32, #tpu.memory_space<hbm>>
    tpu.wait_indirect_dma semaphore(%arg9 : memref<!tpu.dma_semaphore, #tpu.memory_space<semaphore_mem>>) src(%dma_wait3A_828 : memref<100000x1024xf32, #tpu.memory_space<hbm>>) dst(%dma_wait3A_823 : memref<32x1024xf32, #tpu.memory_space<vmem>>)
    %add3A_829 = arith.constant 480 : i32
    %add3A_830 = arith.addi %mul3A_2, %add3A_829 : i32
    %jit3A_831 = arith.constant 4096 : i32
    %div3A_832 = arith.divsi %add3A_830, %jit3A_831 : i32
    %sign3A_833 = arith.constant 0 : i32
    %sign3A_834 = arith.cmpi sgt, %add3A_830, %sign3A_833 : i32
    %sign3A_835 = arith.extui %sign3A_834 : i1 to i32
    %sign3A_836 = arith.constant 0 : i32
    %sign3A_837 = arith.cmpi slt, %add3A_830, %sign3A_836 : i32
    %sign3A_838 = arith.extui %sign3A_837 : i1 to i32
    %sign3A_839 = arith.subi %sign3A_835, %sign3A_838 : i32
    %sign3A_840 = arith.constant 0 : i32
    %sign3A_841 = arith.cmpi sgt, %jit3A_831, %sign3A_840 : i32
    %sign3A_842 = arith.extui %sign3A_841 : i1 to i32
    %sign3A_843 = arith.constant 0 : i32
    %sign3A_844 = arith.cmpi slt, %jit3A_831, %sign3A_843 : i32
    %sign3A_845 = arith.extui %sign3A_844 : i1 to i32
    %sign3A_846 = arith.subi %sign3A_842, %sign3A_845 : i32
    %ne3A_847 = arith.cmpi ne, %sign3A_839, %sign3A_846 : i32
    %rem3A_848 = arith.remsi %add3A_830, %jit3A_831 : i32
    %ne3A_849 = arith.constant 0 : i32
    %ne3A_850 = arith.cmpi ne, %rem3A_848, %ne3A_849 : i32
    %and3A_851 = arith.andi %ne3A_847, %ne3A_850 : i1
    %sub3A_852 = arith.constant 1 : i32
    %sub3A_853 = arith.subi %div3A_832, %sub3A_852 : i32
    %select_n3A_854 = arith.select %and3A_851, %sub3A_853, %div3A_832 : i32
    %add3A_855 = arith.constant 480 : i32
    %add3A_856 = arith.addi %mul3A_2, %add3A_855 : i32
    %jit3A_857 = arith.constant 4096 : i32
    %eq3A_858 = arith.constant 0 : i32
    %eq3A_859 = arith.cmpi eq, %jit3A_857, %eq3A_858 : i32
    %jit3A_860 = arith.constant 1 : i32
    %select_n3A_861 = arith.select %eq3A_859, %jit3A_860, %jit3A_857 : i32
    %rem3A_862 = arith.remsi %add3A_856, %select_n3A_861 : i32
    %ne3A_863 = arith.constant 0 : i32
    %ne3A_864 = arith.cmpi ne, %rem3A_862, %ne3A_863 : i32
    %lt3A_865 = arith.constant 0 : i32
    %lt3A_866 = arith.cmpi slt, %rem3A_862, %lt3A_865 : i32
    %lt3A_867 = arith.constant 0 : i32
    %lt3A_868 = arith.cmpi slt, %select_n3A_861, %lt3A_867 : i32
    %ne3A_869 = arith.xori %lt3A_866, %lt3A_868 : i1
    %and3A_870 = arith.andi %ne3A_869, %ne3A_864 : i1
    %add3A_871 = arith.addi %rem3A_862, %select_n3A_861 : i32
    %select_n3A_872 = arith.select %and3A_870, %add3A_871, %rem3A_862 : i32
    %dma_start3A_873 = arith.constant 0 : i32
    %dma_start3A_874 = arith.constant 0 : i32
    %dma_start3A_875 = tpu.memref_slice %arg6[%dma_start3A_873, %dma_start3A_874] : memref<40x1024xf32, #tpu.memory_space<vmem>> -> memref<32x1024xf32, #tpu.memory_space<vmem>>
    %dma_start3A_876 = arith.constant 0 : i32
    %dma_start3A_877 = tpu.memref_slice %arg4[%select_n3A_854, %select_n3A_872, %dma_start3A_876] : memref<4x4096x1024xf32, #tpu.memory_space<hbm>> -> memref<1x32x1024xf32, #tpu.memory_space<hbm>>
    %dma_start3A_878 = tpu.memref_squeeze %dma_start3A_877 : memref<1x32x1024xf32, #tpu.memory_space<hbm>> -> memref<32x1024xf32, #tpu.memory_space<hbm>>
    %dma_start3A_879 = arith.constant 0 : i32
    %dma_start3A_880 = tpu.memref_slice %arg4[%select_n3A_854, %select_n3A_872, %dma_start3A_879] : memref<4x4096x1024xf32, #tpu.memory_space<hbm>> -> memref<1x32x1024xf32, #tpu.memory_space<hbm>>
    %dma_start3A_881 = tpu.memref_squeeze %dma_start3A_880 : memref<1x32x1024xf32, #tpu.memory_space<hbm>> -> memref<32x1024xf32, #tpu.memory_space<hbm>>
    %dma_start3A_882 = arith.constant 0 : i32
    %dma_start3A_883 = arith.constant 0 : i32
    %dma_start3A_884 = tpu.memref_slice %arg6[%dma_start3A_882, %dma_start3A_883] : memref<40x1024xf32, #tpu.memory_space<vmem>> -> memref<32x1024xf32, #tpu.memory_space<vmem>>
    tpu.enqueue_dma source(%dma_start3A_884 : memref<32x1024xf32, #tpu.memory_space<vmem>>) target(%dma_start3A_881 : memref<32x1024xf32, #tpu.memory_space<hbm>>) target_semaphore(%arg12 : memref<!tpu.dma_semaphore, #tpu.memory_space<semaphore_mem>>)
    %dma_wait3A_885 = arith.constant 0 : i32
    %dma_wait3A_886 = arith.constant 0 : i32
    %dma_wait3A_887 = tpu.memref_slice %arg6[%dma_wait3A_885, %dma_wait3A_886] : memref<40x1024xf32, #tpu.memory_space<vmem>> -> memref<32x1024xf32, #tpu.memory_space<vmem>>
    %dma_wait3A_888 = arith.constant 0 : i32
    %dma_wait3A_889 = tpu.memref_slice %arg4[%select_n3A_854, %select_n3A_872, %dma_wait3A_888] : memref<4x4096x1024xf32, #tpu.memory_space<hbm>> -> memref<1x32x1024xf32, #tpu.memory_space<hbm>>
    %dma_wait3A_890 = tpu.memref_squeeze %dma_wait3A_889 : memref<1x32x1024xf32, #tpu.memory_space<hbm>> -> memref<32x1024xf32, #tpu.memory_space<hbm>>
    %dma_wait3A_891 = arith.constant 0 : i32
    %dma_wait3A_892 = tpu.memref_slice %arg4[%select_n3A_854, %select_n3A_872, %dma_wait3A_891] : memref<4x4096x1024xf32, #tpu.memory_space<hbm>> -> memref<1x32x1024xf32, #tpu.memory_space<hbm>>
    %dma_wait3A_893 = tpu.memref_squeeze %dma_wait3A_892 : memref<1x32x1024xf32, #tpu.memory_space<hbm>> -> memref<32x1024xf32, #tpu.memory_space<hbm>>
    %dma_wait3A_894 = arith.constant 0 : i32
    %dma_wait3A_895 = arith.constant 0 : i32
    %dma_wait3A_896 = tpu.memref_slice %arg6[%dma_wait3A_894, %dma_wait3A_895] : memref<40x1024xf32, #tpu.memory_space<vmem>> -> memref<32x1024xf32, #tpu.memory_space<vmem>>
    tpu.wait_dma2 semaphore(%arg12 : memref<!tpu.dma_semaphore, #tpu.memory_space<semaphore_mem>>) src(%dma_wait3A_896 : memref<32x1024xf32, #tpu.memory_space<vmem>>) dst(%dma_wait3A_893 : memref<32x1024xf32, #tpu.memory_space<hbm>>)
    %dma_wait3A_897 = arith.constant 0 : i32
    %dma_wait3A_898 = tpu.memref_slice %arg4[%select_n3A_741, %select_n3A_759, %dma_wait3A_897] : memref<4x4096x1024xf32, #tpu.memory_space<hbm>> -> memref<1x40x1024xf32, #tpu.memory_space<hbm>>
    %dma_wait3A_899 = tpu.memref_squeeze %dma_wait3A_898 : memref<1x40x1024xf32, #tpu.memory_space<hbm>> -> memref<40x1024xf32, #tpu.memory_space<hbm>>
    %dma_wait3A_900 = arith.constant 0 : i32
    %dma_wait3A_901 = tpu.memref_slice %arg4[%select_n3A_741, %select_n3A_759, %dma_wait3A_900] : memref<4x4096x1024xf32, #tpu.memory_space<hbm>> -> memref<1x40x1024xf32, #tpu.memory_space<hbm>>
    %dma_wait3A_902 = tpu.memref_squeeze %dma_wait3A_901 : memref<1x40x1024xf32, #tpu.memory_space<hbm>> -> memref<40x1024xf32, #tpu.memory_space<hbm>>
    tpu.wait_dma2 semaphore(%arg13 : memref<!tpu.dma_semaphore, #tpu.memory_space<semaphore_mem>>) src(%arg7 : memref<40x1024xf32, #tpu.memory_space<vmem>>) dst(%dma_wait3A_902 : memref<40x1024xf32, #tpu.memory_space<hbm>>)
    %dma_wait3A_903 = arith.constant 0 : i32
    %dma_wait3A_904 = tpu.memref_slice %arg4[%select_n3A_796, %select_n3A_814, %dma_wait3A_903] : memref<4x4096x1024xf32, #tpu.memory_space<hbm>> -> memref<1x40x1024xf32, #tpu.memory_space<hbm>>
    %dma_wait3A_905 = tpu.memref_squeeze %dma_wait3A_904 : memref<1x40x1024xf32, #tpu.memory_space<hbm>> -> memref<40x1024xf32, #tpu.memory_space<hbm>>
    %dma_wait3A_906 = arith.constant 0 : i32
    %dma_wait3A_907 = tpu.memref_slice %arg4[%select_n3A_796, %select_n3A_814, %dma_wait3A_906] : memref<4x4096x1024xf32, #tpu.memory_space<hbm>> -> memref<1x40x1024xf32, #tpu.memory_space<hbm>>
    %dma_wait3A_908 = tpu.memref_squeeze %dma_wait3A_907 : memref<1x40x1024xf32, #tpu.memory_space<hbm>> -> memref<40x1024xf32, #tpu.memory_space<hbm>>
    tpu.wait_dma2 semaphore(%arg14 : memref<!tpu.dma_semaphore, #tpu.memory_space<semaphore_mem>>) src(%arg8 : memref<40x1024xf32, #tpu.memory_space<vmem>>) dst(%dma_wait3A_908 : memref<40x1024xf32, #tpu.memory_space<hbm>>)
    return
  }
}

</mosaic_0001>

<sc_bundles>
// kernel: kernel.3.cloned.1.call-start
scs
__scs_entry_jumppad:
0x0: {  	(pc) =	sbr.rel $0x88, $3  }
0x1: {  	(tag) =	ssettag $0x0;
	lr =	simm.s32 $0x1  }
0x2: {  	[smem:$0x3F9F] =	sst lr;
	_ =	strace $0xD0000000  }
0x3: {  	_ = 	snop  }
0x4: {  	_ = 	snop  }
0x5: {  	_ = 	snop  }
0x6: {  	_ = 	snop  }
0x7: {  	_ = 	snop  }
__scs_overlays_trampoline_lowered:
0x8: {  	[smem:$0x3FAE] =	sst s0  }
0x9: {  	[smem:$0x3FAF] =	sst s1  }
0xa: {  	[smem:$0x3FB0] =	sst s2  }
0xb: {  	[smem:$0x3FB1] =	sst s3  }
0xc: {  	[smem:$0x3FB2] =	sst s4  }
0xd: {  	[smem:$0x3FB3] =	sst s5  }
0xe: {  	[smem:$0x3FB4] =	sst s6  }
0xf: {  	[smem:$0x3FB5] =	sst s7  }
0x10: {  	[smem:$0x3FB6] =	sst s8  }
0x11: {  	[smem:$0x3FB7] =	sst s9;
	s0 =	simm.s32 @!p0 $0x0  }
0x12: {  	s1 =	sld [smem:$0x3F9D];
	s0 =	simm.s32 @p0 $0x1  }
0x13: {  	[smem:$0x3FB8] =	sst s0;
	s0 =	simm.s32 @!p1 $0x0  }
0x14: {  	s2 =	sld [smem:$0x3F9C];
	s0 =	simm.s32 @p1 $0x1  }
0x15: {  	[smem:$0x3FB9] =	sst s0;
	s0 =	simm.s32 @!p2 $0x0  }
0x16: {  	s3 =	sld [smem:$0x3FDB];
	s0 =	simm.s32 @p2 $0x1  }
0x17: {  	s4 =	simm.s32 $0x1BF5;
	[smem:$0x3FBB] =	sst s0  }
0x18: {  	s0 =	sld [smem:$0x3F9E];
	_ =	swait.ge [sflag:s4], $0x0  }
0x19: {  	s7 =	sld [smem:$0x3F9F]  }
0x1a: {  	s8 =	sadd.s32 $0xFFFFE003, lr  }
0x1b: {  	s9 =	sadd.s32 $0xFFFFFEF7, lr;
	s5 =	simm.s32 $0xFFFFFFFF;
	p2 =	slt.u32 s8, $0xFFFFF086  }
0x1c: {  	p1 =	slt.u32 s9, $0xF7A;
	s5 =	simm.s32 @!p2 $0x0  }
0x1d: {  	s5 =	simm.s32 @p1 $0x1;
	p0 =	seq.s32 s7, s2  }
0x1e: {  	s7 =	smul.u32 @!p0 $0xF7A, s2;
	p2 =	seq.s32 @!p0 s5, $0x0  }
0x1f: {  	s9 =	smul.u32 $0xF7A, s1;
	s8 =	simm.s32 @!p0 $0x1BF5;
	p2 =	por !p2, p0  }
0x20: {  	[sflag:s8] =	ssyncset.s32 @!p0 $0xFFFFF086;
	s6 =	sadd.s32 @!p0 s3, s7;
	s7 =	simm.s32 @!p0 $0x108  }
0x21: {  	s3 =	sadd.s32 s3, s9;
	s6 =	sadd.s32 @!p0 $0x88, s6;
	s7 =	simm.s32 @p2 $0x1082  }
0x22: {  	[simem:s7], [sflag:s8] =	dma.local @!p0 [hbm:s6], $0xF7A  }
0x23: {  	s9 =	sor.u32 $0xD0000000, s2;
	s6 =	simm.s32 $0x108;
	_ =	swait.ge @!p0 [sflag:s8], $0x0  }
0x24: {  	s3 =	sadd.s32 $0x88, s3;
	s6 =	simm.s32 @!p1 $0x1082;
	[sflag:s4] =	ssyncset.s32 $0xFFFFF086  }
0x25: {  	[simem:s6], [sflag:s4] =	dma.local [hbm:s3], $0xF7A  }
0x26: {  	[smem:$0x3F9F] =	sst s1;
	(tag) =	ssettag s2;
	_ =	strace s9  }
0x27: {  	s1 =	sld [smem:$0x3FAF]  }
0x28: {  	s2 =	sld [smem:$0x3FB0]  }
0x29: {  	s4 =	sld [smem:$0x3FB2]  }
0x2a: {  	p0 =	seq.s32 s5, $0x0;
	s5 =	sld [smem:$0x3FB3]  }
0x2b: {  	s6 =	sld [smem:$0x3FB4]  }
0x2c: {  	s7 =	sld [smem:$0x3FB5]  }
0x2d: {  	s3 =	simm.s32 $0x108;
	s8 =	sld [smem:$0x3FB6]  }
0x2e: {  	s3 =	simm.s32 @!p0 $0x1082;
	s9 =	sld [smem:$0x3FB7]  }
0x2f: {  	lr =	sadd.s32 s0, s3;
	s0 =	sld [smem:$0x3FAE]  }
0x30: {  	s3 =	sld [smem:$0x3FB1]  }
0x31: {  	[smem:$0x3FBA] =	sst s10  }
0x32: {  	s10 =	sld [smem:$0x3FB8];
	_ =	sdelay $0x3  }
0x33: {  	p0 =	seq.s32 s10, $0x1;
	s10 =	sld [smem:$0x3FBA];
	_ =	sdelay $0x3  }
0x34: {  	[smem:$0x3FBA] =	sst s10  }
0x35: {  	s10 =	sld [smem:$0x3FB9];
	_ =	sdelay $0x3  }
0x36: {  	p1 =	seq.s32 s10, $0x1;
	s10 =	sld [smem:$0x3FBA];
	_ =	sdelay $0x3  }
0x37: {  	[smem:$0x3FBA] =	sst s10  }
0x38: {  	s10 =	sld [smem:$0x3FBB]  }
0x39: {  	_ = 	snop;
	(pc) =	sbr.ind lr, $3  }
0x3a: {  	_ = 	snop  }
0x3b: {  	_ = 	snop  }
0x3c: {  	p2 =	seq.s32 s10, $0x1;
	s10 =	sld [smem:$0x3FBA]  }
0x3d: {  	_ =	shalt  }
0x3e: {  	_ =	shalt  }
0x3f: {  	_ =	shalt  }
0x40: {  	_ =	shalt  }
0x41: {  	_ =	shalt  }
0x42: {  	_ =	shalt  }
0x43: {  	_ =	shalt  }
0x44: {  	_ =	shalt  }
0x45: {  	_ =	shalt  }
0x46: {  	_ =	shalt  }
0x47: {  	_ =	shalt  }
0x48: {  	_ =	shalt  }
0x49: {  	_ =	shalt  }
0x4a: {  	_ =	shalt  }
0x4b: {  	_ =	shalt  }
0x4c: {  	_ =	shalt  }
0x4d: {  	_ =	shalt  }
0x4e: {  	_ =	shalt  }
0x4f: {  	_ =	shalt  }
0x50: {  	_ =	shalt  }
0x51: {  	_ =	shalt  }
0x52: {  	_ =	shalt  }
0x53: {  	_ =	shalt  }
0x54: {  	_ =	shalt  }
0x55: {  	_ =	shalt  }
0x56: {  	_ =	shalt  }
0x57: {  	_ =	shalt  }
0x58: {  	_ =	shalt  }
0x59: {  	_ =	shalt  }
0x5a: {  	_ =	shalt  }
0x5b: {  	_ =	shalt  }
0x5c: {  	_ =	shalt  }
0x5d: {  	_ =	shalt  }
0x5e: {  	_ =	shalt  }
0x5f: {  	_ =	shalt  }
0x60: {  	_ =	shalt  }
0x61: {  	_ =	shalt  }
0x62: {  	_ =	shalt  }
0x63: {  	_ =	shalt  }
0x64: {  	_ =	shalt  }
0x65: {  	_ =	shalt  }
0x66: {  	_ =	shalt  }
0x67: {  	_ =	shalt  }
0x68: {  	_ =	shalt  }
0x69: {  	_ =	shalt  }
0x6a: {  	_ =	shalt  }
0x6b: {  	_ =	shalt  }
0x6c: {  	_ =	shalt  }
0x6d: {  	_ =	shalt  }
0x6e: {  	_ =	shalt  }
0x6f: {  	_ =	shalt  }
0x70: {  	_ =	shalt  }
0x71: {  	_ =	shalt  }
0x72: {  	_ =	shalt  }
0x73: {  	_ =	shalt  }
0x74: {  	_ =	shalt  }
0x75: {  	_ =	shalt  }
0x76: {  	_ =	shalt  }
0x77: {  	_ =	shalt  }
0x78: {  	_ =	shalt  }
0x79: {  	_ =	shalt  }
0x7a: {  	_ =	shalt  }
0x7b: {  	_ =	shalt  }
0x7c: {  	_ =	shalt  }
0x7d: {  	_ =	shalt  }
0x7e: {  	_ =	shalt  }
0x7f: {  	_ =	shalt  }
0x80: {  	_ =	shalt  }
0x81: {  	_ =	shalt  }
0x82: {  	_ =	shalt  }
0x83: {  	_ =	shalt  }
0x84: {  	_ =	shalt  }
0x85: {  	_ =	shalt  }
0x86: {  	_ =	shalt  }
0x87: {  	_ =	shalt  }
.Lfunc_end0:
.L_simem_size_0:
called_computation_lowered:
.L_overlay_start_0:
0x88: {  	s2 =	sld [smem:$0x3FD9]  }
0x89: {  	s3 =	sld [smem:$0x3FFE];
	_ =	sdelay $0x1  }
0x8a: {  	s1 =	srdreg.scid  }
0x8b: {  	s0 =	sand.u32 $0x1, s1  }
0x8c: {  	s18 =	sshll.u32 s0, $0xA;
	s2 =	sadd.s32 s3, s2  }
0x8d: {  	s2 =	sadd.s32 s2, s18  }
0x8e: {  	[smem:$0x3FC6] =	sst s2  }
0x8f: {  	_ = 	snop  }
0x90: {  	s2 =	sld [smem:$0x3FC9]  }
0x91: {  	s19 =	sld [smem:$0x3FC8]  }
0x92: {  	s4 =	sld [smem:$0x3FD0];
	(tm) =	ssettm $0x1  }
0x93: {  	s5 =	sld [smem:$0x3FFB];
	_ =	sdelay $0x3  }
0x94: {  	_ =	strace s5  }
0x95: {  	s5 =	sld [smem:$0x3FFC];
	_ =	sdelay $0x3  }
0x96: {  	_ =	strace s5  }
0x97: {  	s5 =	sld [smem:$0x3FFD];
	_ =	sdelay $0x3  }
0x98: {  	_ =	strace s5  }
0x99: {  	_ =	strace $0x8FFFFFFF  }
0x9a: {  	s20 =	sld [smem:$0x3FDB];
	_ =	sdelay $0x1  }
0x9b: {  	s6 =	simm.s32 $_scs_section_size  }
0x9c: {  	s7 =	simm.s32 $_size__tile_overlayer_lowered;
	s8 =	simm.s32 $_tile_overlayer_lowered  }
0x9d: {  	s23 =	simm.s32 $0x1BFF;
	s22 =	sshll.u32 s8, $0x1;
	s5 =	sadd.s32 s6, s20  }
0x9e: {  	s9 =	simm.s32 $0x0;
	s21 =	sshll.u32 s7, $0x1;
	s7 =	sadd.s32 s22, s5  }
0x9f: {  	[timem:s9], [sflag:s23] =	dma.local [hbm:s7], s21  }
0xa0: {  	_ =	swait.ge [sflag:s23], s21  }
0xa1: {  	s6 =	ssub.s32 $0x0, s21;
	[sflag:s23] =	ssyncset.done $0x0  }
0xa2: {  	[sflag:s23] =	ssyncadd.s32 s6;
	_ =	sdelay $0x1  }
0xa3: {  	s24 =	simm.s32 $0x1B8B  }
0xa4: {  	_ =	swait.ge [sflag:s24], $0x1  }
0xa5: {  	[sflag:s24] =	ssyncset.done $0x0  }
0xa6: {  	s25 =	simm.s32 $0x1B8E;
	[sflag:s24] =	ssyncadd.s32 $0xFFFFFFFF  }
0xa7: {  	s26 =	simm.s32 $execute0_lowered;
	[smem:$0x3FD2] =	sst s25  }
0xa8: {  	s6 =	sshll.u32 s26, $0x1;
	_ =	strace $0x80000046;
	[dreg:$0x1] =	wrdreg $0xFFFFFFFF  }
0xa9: {  	s28 =	simm.s32 $_size_execute0_lowered;
	s5 =	sadd.s32 s5, s6;
	[dreg:$0x0] =	wrdreg $0x0  }
0xaa: {  	s6 =	sshll.u32 s28, $0x1;
	[dreg:$0x2] =	wrdreg s5  }
0xab: {  	[dreg:$0x3] =	wrdreg s6  }
0xac: {  	[dreg:$0x4] =	wrdreg $0xC0  }
0xad: {  	_ =	task [dreg:s9], $0x5FFFF  }
0xae: {  	[dreg:$0x1] =	wrdreg $0xFFFFFFFF  }
0xaf: {  	[dreg:$0x0] =	wrdreg $0x60  }
0xb0: {  	[dreg:$0x2] =	wrdreg s2  }
0xb1: {  	[dreg:$0x3] =	wrdreg s19  }
0xb2: {  	[dreg:$0x4] =	wrdreg s4  }
0xb3: {  	[dreg:$0x5] =	wrdreg $0x9  }
0xb4: {  	_ =	task.clear_ibuf [dreg:s9], $0x6FFFF;
	_ =	strace $0x90000046  }
0xb5: {  	s29 =	simm.s32 $0x9;
	_ =	strace $0x80000048  }
0xb6: {  	_ =	swait.ge [sflag:s29], $0x1  }
0xb7: {  	[sflag:s29] =	ssyncadd.s32 $0xFFFFFFFF  }
0xb8: {  	_ =	strace $0x90000048  }
0xb9: {  	_ =	sfence  }
0xba: {  	s30 =	sld [smem:$0x0];
	_ =	sdelay $0x2  }
0xbb: {  	s31 =	sshll.u32 s1, $0xD;
	s1 =	sshrl.u32 s1, $0x2  }
0xbc: {  	s3 =	sand.u32 $0x4000, s31;
	s1 =	sadd.s32 s1, s30  }
0xbd: {  	s0 =	sor.u32 s3, s0;
	s1 =	sshll.u32 s1, $0x11  }
0xbe: {  	s0 =	sor.u32 s1, s0  }
0xbf: {  	s0 =	sadd.s32 $0x8F2B, s0  }
0xc0: {  	[sflag:s0] =	ssyncadd.remote.s32 $0x1  }
0xc1: {  	_ =	sfence.sel $0xFFFF  }
0xc2: {  	[dreg:$0x0] =	wrdreg $0xFFFFFFFF;
	(pc) =	sbr.abs _section_cstart, $3  }
0xc3: {  	[dreg:$0x1] =	wrdreg $0xFFFFFFFF  }
0xc4: {  	_ =	task.clear_ibuf [dreg:s9], $0x2FFFF;
	_ =	strace $0x9FFFFFFF  }
0xc5: {  	(tm) =	ssettm $0x7FFFFFFF  }
tec
execute0_lowered:
.L_overlay_start_1:
0x0: {  	(tag) =	ssettag $0x1  }
0x1: {  	s0 =	rddreg [dreg:$0x0]  }
0x2: {  	s2 =	rddreg [dreg:$0x1]  }
0x3: {  	s1 =	rddreg [dreg:$0x2]  }
0x4: {  	s3 =	srdreg.scid;
	s6 =	stileid.u32;
	s31 =	simm.s32 $0x80  }
0x5: {  	s28 =	simm.s32 $0x5;
	s4 =	sand.u32 $0x1, s3;
	s5 =	sshll.u32 s6, $0x1  }
0x6: {  	s3 =	simm.s32 $0x0;
	s6 =	sshll.u32 s6, $0x2;
	s5 =	sor.u32 s4, s5  }
0x7: {  	[smem:$0x7FF] =	sst s3;
	s6 =	sand.u32 $0x30, s6;
	s7 =	sshll.u32 s5, $0x8  }
0x8: {  	s5 =	sshll.u32 s5, $0x10;
	s0 =	sadd.s32 s0, s6;
	_ =	strace $0x80000047  }
0x9: {  	[dreg:$0x11] =	wrdreg s31;
	s7 =	sand.u32 $0x700, s7;
	s13 =	sadd.s32 s1, s5  }
0xa: {  	s29 =	simm.s32 $0x3;
	s0 =	sadd.s32 s7, s0;
	[dreg:$0x12] =	wrdreg s13  }
0xb: {  	s30 =	simm.s32 $0x6;
	s14 =	sadd.s32 $0x1400, s13;
	[dreg:$0x4] =	wrdreg s0  }
0xc: {  	s10 =	simm.s32 $0xA200;
	s15 =	sadd.s32 $0x2800, s13;
	[dreg:$0x5] =	wrdreg s14  }
0xd: {  	s9 =	simm.s32 $0x14200;
	s16 =	sadd.s32 $0x3C00, s13;
	[dreg:$0x6] =	wrdreg s15  }
0xe: {  	s21 =	ssub.s32 $0x2, s4;
	s17 =	sadd.s32 $0x5000, s13;
	[dreg:$0x7] =	wrdreg s16  }
0xf: {  	s4 =	sshrl.u32 s21, $0x1;
	s18 =	sadd.s32 $0x6400, s13;
	[dreg:$0x8] =	wrdreg s17  }
0x10: {  	s6 =	sadd.s32 $0x200, s2;
	s19 =	sadd.s32 $0x7800, s13;
	[dreg:$0x9] =	wrdreg s18  }
0x11: {  	s1 =	ssub.s32 s21, s4;
	s20 =	sadd.s32 $0x8C00, s13;
	[dreg:$0xa] =	wrdreg s19  }
0x12: {  	s5 =	sadd.s32 $0x100, s2;
	s22 =	sadd.s32 $0xA000, s13;
	[dreg:$0xb] =	wrdreg s20  }
0x13: {  	s4 =	simm.s32 $0x4;
	s23 =	sadd.s32 $0xB400, s13;
	[dreg:$0xc] =	wrdreg s22  }
0x14: {  	s24 =	sadd.s32 $0xC800, s13;
	s25 =	sadd.s32 $0xDC00, s13;
	[dreg:$0xd] =	wrdreg s23  }
0x15: {  	v2 =	vlaneseq.u32;
	s26 =	sadd.s32 $0xF000, s13;
	s7 =	sadd.s32 $0x300, s2;
	[dreg:$0xe] =	wrdreg s24  }
0x16: {  	vm0 =	vmmov $0xffff;
	v1 =	vshrl.u32 v2, $0x3;
	s8 =	smax.u32 s1, $0x1;
	s1 =	simm.s32 $0x1;
	[dreg:$0xf] =	wrdreg s25  }
0x17: {  	v0 =	vand.u32 $0x7, v2;
	v2 =	vor.u32 $0x8, v2;
	v1 =	vmul.u32 $0x8, v1;
	[dreg:$0x10] =	wrdreg s26;
	s15 =	simm.s32 $0x200;
	s26 =	simm.s32 $0x2  }
.LBB2_1:
0x18: {  	s0 =	rddreg [dreg:$0x4]  }
0x19: {  	s11 =	rddreg [dreg:$0x11];
	s20 =	simm.s32 $0x7  }
0x1a: {  	[tilespmem:s3], [sflag:$0x7] =	stream.strided.gather [hbm4b:s0+s11], $0x200, s15, s11, $0x38;
	[tilespmem:$0x1E200] =	vst v63  }
0x1b: {  	_ =	swait.ge [sflag:s20], $0x200  }
0x1c: {  	[sflag:s20] =	ssyncset.done $0x0  }
0x1d: {  	[sflag:s20] =	ssyncadd.s32 $0xFFFFFE00  }
0x1e: {  	v3 =	vld [tilespmem:$0x0];
	_ =	sdelay $0x4  }
0x1f: {  	v4 =	vshll.u32 v3, $0x3  }
0x20: {  	v3 =	vand.u32 $0x7, v3;
	v4 =	vand.u32 $0xFFFFFFC0, v4  }
0x21: {  	v3 =	vor.u32 v3, v4  }
0x22: {  	v4 =	vperm.xlane v3, v0;
	_ =	sdelay $0x1  }
0x23: {  	v4 =	vadd.s32 v1, v4;
	_ =	sdelay $0x4  }
0x24: {  	[tilespmem:s15], [sflag:$0x1] =	stream.indirect_vreg.gather [hbm4b:s2+s3], $0x80, v4, vm0, $0xb8;
	[tilespmem:$0x1E200] =	vst v63  }
0x25: {  	s21 =	simm.s32 $0xA00;
	v3 =	vperm.xlane v3, v2  }
0x26: {  	[tilespmem:s21], [sflag:$0x1] =	stream.indirect_vreg.gather [hbm4b:s5+s3], $0x80, v4, vm0, $0xb8;
	[tilespmem:$0x1E200] =	vst v63  }
0x27: {  	s22 =	simm.s32 $0x1200;
	v3 =	vadd.s32 v1, v3  }
0x28: {  	[tilespmem:s22], [sflag:$0x1] =	stream.indirect_vreg.gather [hbm4b:s6+s3], $0x80, v4, vm0, $0xb8;
	[tilespmem:$0x1E200] =	vst v63  }
0x29: {  	s23 =	simm.s32 $0x1A00  }
0x2a: {  	[tilespmem:s23], [sflag:$0x1] =	stream.indirect_vreg.gather [hbm4b:s7+s3], $0x80, v4, vm0, $0xb8;
	[tilespmem:$0x1E200] =	vst v63  }
0x2b: {  	s25 =	simm.s32 $0x2200  }
0x2c: {  	[tilespmem:s25], [sflag:$0x1] =	stream.indirect_vreg.gather [hbm4b:s2+s3], $0x80, v3, vm0, $0xb8;
	[tilespmem:$0x1E200] =	vst v63  }
0x2d: {  	s11 =	simm.s32 $0x2A00  }
0x2e: {  	[tilespmem:s11], [sflag:$0x1] =	stream.indirect_vreg.gather [hbm4b:s5+s3], $0x80, v3, vm0, $0xb8;
	[tilespmem:$0x1E200] =	vst v63  }
0x2f: {  	s12 =	simm.s32 $0x3200  }
0x30: {  	[tilespmem:s12], [sflag:$0x1] =	stream.indirect_vreg.gather [hbm4b:s6+s3], $0x80, v3, vm0, $0xb8;
	[tilespmem:$0x1E200] =	vst v63  }
0x31: {  	s13 =	simm.s32 $0x3A00  }
0x32: {  	[tilespmem:s13], [sflag:$0x1] =	stream.indirect_vreg.gather [hbm4b:s7+s3], $0x80, v3, vm0, $0xb8;
	[tilespmem:$0x1E200] =	vst v63  }
0x33: {  	v3 =	vld [tilespmem:$0x10];
	_ =	sdelay $0x4  }
0x34: {  	v27 =	vshll.u32 v3, $0x3  }
0x35: {  	v3 =	vand.u32 $0x7, v3;
	v4 =	vand.u32 $0xFFFFFFC0, v27  }
0x36: {  	v3 =	vor.u32 v3, v4  }
0x37: {  	v4 =	vperm.xlane v3, v0;
	_ =	sdelay $0x1  }
0x38: {  	v4 =	vadd.s32 v1, v4;
	_ =	sdelay $0x3  }
0x39: {  	s14 =	simm.s32 $0x4200  }
0x3a: {  	[tilespmem:s14], [sflag:$0x1] =	stream.indirect_vreg.gather [hbm4b:s2+s3], $0x80, v4, vm0, $0xb8;
	[tilespmem:$0x1E200] =	vst v63  }
0x3b: {  	s19 =	simm.s32 $0x4A00;
	v3 =	vperm.xlane v3, v2  }
0x3c: {  	[tilespmem:s19], [sflag:$0x1] =	stream.indirect_vreg.gather [hbm4b:s5+s3], $0x80, v4, vm0, $0xb8;
	[tilespmem:$0x1E200] =	vst v63  }
0x3d: {  	s20 =	simm.s32 $0x5200;
	v3 =	vadd.s32 v1, v3  }
0x3e: {  	[tilespmem:s20], [sflag:$0x1] =	stream.indirect_vreg.gather [hbm4b:s6+s3], $0x80, v4, vm0, $0xb8;
	[tilespmem:$0x1E200] =	vst v63  }
0x3f: {  	s21 =	simm.s32 $0x5A00  }
0x40: {  	[tilespmem:s21], [sflag:$0x1] =	stream.indirect_vreg.gather [hbm4b:s7+s3], $0x80, v4, vm0, $0xb8;
	[tilespmem:$0x1E200] =	vst v63  }
0x41: {  	s22 =	simm.s32 $0x6200  }
0x42: {  	[tilespmem:s22], [sflag:$0x1] =	stream.indirect_vreg.gather [hbm4b:s2+s3], $0x80, v3, vm0, $0xb8;
	[tilespmem:$0x1E200] =	vst v63  }
0x43: {  	s23 =	simm.s32 $0x6A00  }
0x44: {  	[tilespmem:s23], [sflag:$0x1] =	stream.indirect_vreg.gather [hbm4b:s5+s3], $0x80, v3, vm0, $0xb8;
	[tilespmem:$0x1E200] =	vst v63  }
0x45: {  	s11 =	simm.s32 $0x7200  }
0x46: {  	[tilespmem:s11], [sflag:$0x1] =	stream.indirect_vreg.gather [hbm4b:s6+s3], $0x80, v3, vm0, $0xb8;
	[tilespmem:$0x1E200] =	vst v63  }
0x47: {  	s14 =	simm.s32 $0x7A00  }
0x48: {  	[tilespmem:s14], [sflag:$0x1] =	stream.indirect_vreg.gather [hbm4b:s7+s3], $0x80, v3, vm0, $0xb8;
	[tilespmem:$0x1E200] =	vst v63  }
0x49: {  	v3 =	vld.msk [tilespmem:$0x20], $0xff;
	_ =	sdelay $0x4  }
0x4a: {  	v28 =	vshll.u32 v3, $0x3  }
0x4b: {  	v3 =	vand.u32 $0x7, v3;
	v4 =	vand.u32 $0xFFFFFFC0, v28  }
0x4c: {  	v3 =	vor.u32 v3, v4  }
0x4d: {  	v3 =	vperm.xlane v3, v0;
	_ =	sdelay $0x1  }
0x4e: {  	v3 =	vadd.s32 v1, v3;
	_ =	sdelay $0x3  }
0x4f: {  	s11 =	simm.s32 $0x8200  }
0x50: {  	[tilespmem:s11], [sflag:$0x1] =	stream.indirect_vreg.gather [hbm4b:s2+s3], $0x80, v3, vm0, $0xb8;
	[tilespmem:$0x1E200] =	vst v63  }
0x51: {  	s11 =	simm.s32 $0x8A00  }
0x52: {  	[tilespmem:s11], [sflag:$0x1] =	stream.indirect_vreg.gather [hbm4b:s5+s3], $0x80, v3, vm0, $0xb8;
	[tilespmem:$0x1E200] =	vst v63  }
0x53: {  	s11 =	simm.s32 $0x9200  }
0x54: {  	[tilespmem:s11], [sflag:$0x1] =	stream.indirect_vreg.gather [hbm4b:s6+s3], $0x80, v3, vm0, $0xb8;
	[tilespmem:$0x1E200] =	vst v63  }
0x55: {  	s11 =	simm.s32 $0x9A00  }
0x56: {  	[tilespmem:s11], [sflag:$0x1] =	stream.indirect_vreg.gather [hbm4b:s7+s3], $0x80, v3, vm0, $0xb8;
	[tilespmem:$0x1E200] =	vst v63  }
0x57: {  	v3 =	vld [tilespmem:$0x28];
	_ =	sdelay $0x4  }
0x58: {  	v29 =	vshll.u32 v3, $0x3  }
0x59: {  	v3 =	vand.u32 $0x7, v3;
	v4 =	vand.u32 $0xFFFFFFC0, v29  }
0x5a: {  	v3 =	vor.u32 v3, v4  }
0x5b: {  	v4 =	vperm.xlane v3, v0;
	_ =	sdelay $0x1  }
0x5c: {  	v4 =	vadd.s32 v1, v4;
	_ =	sdelay $0x4  }
0x5d: {  	[tilespmem:s10], [sflag:$0x2] =	stream.indirect_vreg.gather [hbm4b:s2+s3], $0x80, v4, vm0, $0xb8;
	[tilespmem:$0x1E200] =	vst v63  }
0x5e: {  	s0 =	simm.s32 $0xAA00;
	v3 =	vperm.xlane v3, v2  }
0x5f: {  	[tilespmem:s0], [sflag:$0x2] =	stream.indirect_vreg.gather [hbm4b:s5+s3], $0x80, v4, vm0, $0xb8;
	[tilespmem:$0x1E200] =	vst v63  }
0x60: {  	v3 =	vadd.s32 v1, v3;
	s0 =	simm.s32 $0xB200  }
0x61: {  	[tilespmem:s0], [sflag:$0x2] =	stream.indirect_vreg.gather [hbm4b:s6+s3], $0x80, v4, vm0, $0xb8;
	[tilespmem:$0x1E200] =	vst v63  }
0x62: {  	s0 =	simm.s32 $0xBA00  }
0x63: {  	[tilespmem:s0], [sflag:$0x2] =	stream.indirect_vreg.gather [hbm4b:s7+s3], $0x80, v4, vm0, $0xb8;
	[tilespmem:$0x1E200] =	vst v63  }
0x64: {  	s0 =	simm.s32 $0xC200  }
0x65: {  	[tilespmem:s0], [sflag:$0x2] =	stream.indirect_vreg.gather [hbm4b:s2+s3], $0x80, v3, vm0, $0xb8;
	[tilespmem:$0x1E200] =	vst v63  }
0x66: {  	s0 =	simm.s32 $0xCA00  }
0x67: {  	[tilespmem:s0], [sflag:$0x2] =	stream.indirect_vreg.gather [hbm4b:s5+s3], $0x80, v3, vm0, $0xb8;
	[tilespmem:$0x1E200] =	vst v63  }
0x68: {  	s0 =	simm.s32 $0xD200  }
0x69: {  	[tilespmem:s0], [sflag:$0x2] =	stream.indirect_vreg.gather [hbm4b:s6+s3], $0x80, v3, vm0, $0xb8;
	[tilespmem:$0x1E200] =	vst v63  }
0x6a: {  	s0 =	simm.s32 $0xDA00  }
0x6b: {  	[tilespmem:s0], [sflag:$0x2] =	stream.indirect_vreg.gather [hbm4b:s7+s3], $0x80, v3, vm0, $0xb8;
	[tilespmem:$0x1E200] =	vst v63  }
0x6c: {  	v3 =	vld [tilespmem:$0x38];
	_ =	sdelay $0x4  }
0x6d: {  	v30 =	vshll.u32 v3, $0x3  }
0x6e: {  	v3 =	vand.u32 $0x7, v3;
	v4 =	vand.u32 $0xFFFFFFC0, v30  }
0x6f: {  	v3 =	vor.u32 v3, v4  }
0x70: {  	v4 =	vperm.xlane v3, v0;
	_ =	sdelay $0x1  }
0x71: {  	v4 =	vadd.s32 v1, v4;
	_ =	sdelay $0x3  }
0x72: {  	s0 =	simm.s32 $0xE200  }
0x73: {  	[tilespmem:s0], [sflag:$0x2] =	stream.indirect_vreg.gather [hbm4b:s2+s3], $0x80, v4, vm0, $0xb8;
	[tilespmem:$0x1E200] =	vst v63  }
0x74: {  	v3 =	vperm.xlane v3, v2;
	s0 =	simm.s32 $0xEA00  }
0x75: {  	[tilespmem:s0], [sflag:$0x2] =	stream.indirect_vreg.gather [hbm4b:s5+s3], $0x80, v4, vm0, $0xb8;
	[tilespmem:$0x1E200] =	vst v63  }
0x76: {  	v3 =	vadd.s32 v1, v3;
	s0 =	simm.s32 $0xF200  }
0x77: {  	[tilespmem:s0], [sflag:$0x2] =	stream.indirect_vreg.gather [hbm4b:s6+s3], $0x80, v4, vm0, $0xb8;
	[tilespmem:$0x1E200] =	vst v63  }
0x78: {  	s0 =	simm.s32 $0xFA00  }
0x79: {  	[tilespmem:s0], [sflag:$0x2] =	stream.indirect_vreg.gather [hbm4b:s7+s3], $0x80, v4, vm0, $0xb8;
	[tilespmem:$0x1E200] =	vst v63  }
0x7a: {  	s0 =	simm.s32 $0x10200  }
0x7b: {  	[tilespmem:s0], [sflag:$0x2] =	stream.indirect_vreg.gather [hbm4b:s2+s3], $0x80, v3, vm0, $0xb8;
	[tilespmem:$0x1E200] =	vst v63  }
0x7c: {  	s0 =	simm.s32 $0x10A00  }
0x7d: {  	[tilespmem:s0], [sflag:$0x2] =	stream.indirect_vreg.gather [hbm4b:s5+s3], $0x80, v3, vm0, $0xb8;
	[tilespmem:$0x1E200] =	vst v63  }
0x7e: {  	s0 =	simm.s32 $0x11200  }
0x7f: {  	[tilespmem:s0], [sflag:$0x2] =	stream.indirect_vreg.gather [hbm4b:s6+s3], $0x80, v3, vm0, $0xb8;
	[tilespmem:$0x1E200] =	vst v63  }
0x80: {  	s0 =	simm.s32 $0x11A00  }
0x81: {  	[tilespmem:s0], [sflag:$0x2] =	stream.indirect_vreg.gather [hbm4b:s7+s3], $0x80, v3, vm0, $0xb8;
	[tilespmem:$0x1E200] =	vst v63  }
0x82: {  	v3 =	vld.msk [tilespmem:$0x48], $0xff;
	_ =	sdelay $0x4  }
0x83: {  	v31 =	vshll.u32 v3, $0x3  }
0x84: {  	v3 =	vand.u32 $0x7, v3;
	v4 =	vand.u32 $0xFFFFFFC0, v31  }
0x85: {  	v3 =	vor.u32 v3, v4  }
0x86: {  	v3 =	vperm.xlane v3, v0;
	_ =	sdelay $0x1  }
0x87: {  	v3 =	vadd.s32 v1, v3;
	_ =	sdelay $0x3  }
0x88: {  	s0 =	simm.s32 $0x12200  }
0x89: {  	[tilespmem:s0], [sflag:$0x2] =	stream.indirect_vreg.gather [hbm4b:s2+s3], $0x80, v3, vm0, $0xb8;
	[tilespmem:$0x1E200] =	vst v63  }
0x8a: {  	s0 =	simm.s32 $0x12A00  }
0x8b: {  	[tilespmem:s0], [sflag:$0x2] =	stream.indirect_vreg.gather [hbm4b:s5+s3], $0x80, v3, vm0, $0xb8;
	[tilespmem:$0x1E200] =	vst v63  }
0x8c: {  	s0 =	simm.s32 $0x13200  }
0x8d: {  	[tilespmem:s0], [sflag:$0x2] =	stream.indirect_vreg.gather [hbm4b:s6+s3], $0x80, v3, vm0, $0xb8;
	[tilespmem:$0x1E200] =	vst v63  }
0x8e: {  	s0 =	simm.s32 $0x13A00  }
0x8f: {  	[tilespmem:s0], [sflag:$0x2] =	stream.indirect_vreg.gather [hbm4b:s7+s3], $0x80, v3, vm0, $0xb8;
	[tilespmem:$0x1E200] =	vst v63  }
0x90: {  	v3 =	vld [tilespmem:$0x50];
	_ =	sdelay $0x4  }
0x91: {  	v32 =	vshll.u32 v3, $0x3  }
0x92: {  	v3 =	vand.u32 $0x7, v3;
	v4 =	vand.u32 $0xFFFFFFC0, v32  }
0x93: {  	v3 =	vor.u32 v3, v4  }
0x94: {  	v4 =	vperm.xlane v3, v0;
	_ =	sdelay $0x1  }
0x95: {  	v4 =	vadd.s32 v1, v4;
	_ =	sdelay $0x4  }
0x96: {  	[tilespmem:s9], [sflag:$0x3] =	stream.indirect_vreg.gather [hbm4b:s2+s3], $0x80, v4, vm0, $0xb8;
	[tilespmem:$0x1E200] =	vst v63  }
0x97: {  	s0 =	simm.s32 $0x14A00;
	v3 =	vperm.xlane v3, v2  }
0x98: {  	[tilespmem:s0], [sflag:$0x3] =	stream.indirect_vreg.gather [hbm4b:s5+s3], $0x80, v4, vm0, $0xb8;
	[tilespmem:$0x1E200] =	vst v63  }
0x99: {  	v3 =	vadd.s32 v1, v3;
	s0 =	simm.s32 $0x15200  }
0x9a: {  	[tilespmem:s0], [sflag:$0x3] =	stream.indirect_vreg.gather [hbm4b:s6+s3], $0x80, v4, vm0, $0xb8;
	[tilespmem:$0x1E200] =	vst v63  }
0x9b: {  	s0 =	simm.s32 $0x15A00  }
0x9c: {  	[tilespmem:s0], [sflag:$0x3] =	stream.indirect_vreg.gather [hbm4b:s7+s3], $0x80, v4, vm0, $0xb8;
	[tilespmem:$0x1E200] =	vst v63  }
0x9d: {  	s0 =	simm.s32 $0x16200  }
0x9e: {  	[tilespmem:s0], [sflag:$0x3] =	stream.indirect_vreg.gather [hbm4b:s2+s3], $0x80, v3, vm0, $0xb8;
	[tilespmem:$0x1E200] =	vst v63  }
0x9f: {  	s0 =	simm.s32 $0x16A00  }
0xa0: {  	[tilespmem:s0], [sflag:$0x3] =	stream.indirect_vreg.gather [hbm4b:s5+s3], $0x80, v3, vm0, $0xb8;
	[tilespmem:$0x1E200] =	vst v63  }
0xa1: {  	s0 =	simm.s32 $0x17200  }
0xa2: {  	[tilespmem:s0], [sflag:$0x3] =	stream.indirect_vreg.gather [hbm4b:s6+s3], $0x80, v3, vm0, $0xb8;
	[tilespmem:$0x1E200] =	vst v63  }
0xa3: {  	s0 =	simm.s32 $0x17A00  }
0xa4: {  	[tilespmem:s0], [sflag:$0x3] =	stream.indirect_vreg.gather [hbm4b:s7+s3], $0x80, v3, vm0, $0xb8;
	[tilespmem:$0x1E200] =	vst v63  }
0xa5: {  	v3 =	vld [tilespmem:$0x60];
	_ =	sdelay $0x4  }
0xa6: {  	v33 =	vshll.u32 v3, $0x3  }
0xa7: {  	v3 =	vand.u32 $0x7, v3;
	v4 =	vand.u32 $0xFFFFFFC0, v33  }
0xa8: {  	v3 =	vor.u32 v3, v4  }
0xa9: {  	v4 =	vperm.xlane v3, v0;
	_ =	sdelay $0x1  }
0xaa: {  	v4 =	vadd.s32 v1, v4;
	_ =	sdelay $0x3  }
0xab: {  	s0 =	simm.s32 $0x18200  }
0xac: {  	[tilespmem:s0], [sflag:$0x3] =	stream.indirect_vreg.gather [hbm4b:s2+s3], $0x80, v4, vm0, $0xb8;
	[tilespmem:$0x1E200] =	vst v63  }
0xad: {  	v3 =	vperm.xlane v3, v2;
	s0 =	simm.s32 $0x18A00  }
0xae: {  	[tilespmem:s0], [sflag:$0x3] =	stream.indirect_vreg.gather [hbm4b:s5+s3], $0x80, v4, vm0, $0xb8;
	[tilespmem:$0x1E200] =	vst v63  }
0xaf: {  	v3 =	vadd.s32 v1, v3;
	s0 =	simm.s32 $0x19200  }
0xb0: {  	[tilespmem:s0], [sflag:$0x3] =	stream.indirect_vreg.gather [hbm4b:s6+s3], $0x80, v4, vm0, $0xb8;
	[tilespmem:$0x1E200] =	vst v63  }
0xb1: {  	s0 =	simm.s32 $0x19A00  }
0xb2: {  	[tilespmem:s0], [sflag:$0x3] =	stream.indirect_vreg.gather [hbm4b:s7+s3], $0x80, v4, vm0, $0xb8;
	[tilespmem:$0x1E200] =	vst v63  }
0xb3: {  	s0 =	simm.s32 $0x1A200  }
0xb4: {  	[tilespmem:s0], [sflag:$0x3] =	stream.indirect_vreg.gather [hbm4b:s2+s3], $0x80, v3, vm0, $0xb8;
	[tilespmem:$0x1E200] =	vst v63  }
0xb5: {  	s0 =	simm.s32 $0x1AA00  }
0xb6: {  	[tilespmem:s0], [sflag:$0x3] =	stream.indirect_vreg.gather [hbm4b:s5+s3], $0x80, v3, vm0, $0xb8;
	[tilespmem:$0x1E200] =	vst v63  }
0xb7: {  	s0 =	simm.s32 $0x1B200  }
0xb8: {  	[tilespmem:s0], [sflag:$0x3] =	stream.indirect_vreg.gather [hbm4b:s6+s3], $0x80, v3, vm0, $0xb8;
	[tilespmem:$0x1E200] =	vst v63  }
0xb9: {  	s0 =	simm.s32 $0x1BA00  }
0xba: {  	[tilespmem:s0], [sflag:$0x3] =	stream.indirect_vreg.gather [hbm4b:s7+s3], $0x80, v3, vm0, $0xb8;
	[tilespmem:$0x1E200] =	vst v63  }
0xbb: {  	v3 =	vld.msk [tilespmem:$0x70], $0xff;
	_ =	sdelay $0x4  }
0xbc: {  	v34 =	vshll.u32 v3, $0x3  }
0xbd: {  	v3 =	vand.u32 $0x7, v3;
	v4 =	vand.u32 $0xFFFFFFC0, v34  }
0xbe: {  	v3 =	vor.u32 v3, v4  }
0xbf: {  	v3 =	vperm.xlane v3, v0;
	_ =	sdelay $0x1  }
0xc0: {  	v3 =	vadd.s32 v1, v3;
	_ =	sdelay $0x3  }
0xc1: {  	s0 =	simm.s32 $0x1C200  }
0xc2: {  	[tilespmem:s0], [sflag:$0x3] =	stream.indirect_vreg.gather [hbm4b:s2+s3], $0x80, v3, vm0, $0xb8;
	[tilespmem:$0x1E200] =	vst v63  }
0xc3: {  	s0 =	simm.s32 $0x1CA00  }
0xc4: {  	[tilespmem:s0], [sflag:$0x3] =	stream.indirect_vreg.gather [hbm4b:s5+s3], $0x80, v3, vm0, $0xb8;
	[tilespmem:$0x1E200] =	vst v63  }
0xc5: {  	s0 =	simm.s32 $0x1D200  }
0xc6: {  	[tilespmem:s0], [sflag:$0x3] =	stream.indirect_vreg.gather [hbm4b:s6+s3], $0x80, v3, vm0, $0xb8;
	[tilespmem:$0x1E200] =	vst v63  }
0xc7: {  	s0 =	simm.s32 $0x1DA00  }
0xc8: {  	[tilespmem:s0], [sflag:$0x3] =	stream.indirect_vreg.gather [hbm4b:s7+s3], $0x80, v3, vm0, $0xb8;
	[tilespmem:$0x1E200] =	vst v63  }
0xc9: {  	_ =	swait.ge [sflag:s1], $0xA000  }
0xca: {  	[sflag:s1] =	ssyncset.done $0x0  }
0xcb: {  	s0 =	rddreg [dreg:$0x12];
	[sflag:s1] =	ssyncadd.s32 $0xFFFF6000  }
0xcc: {  	[hbm4b:s0+s3] =	stream.linear.scatter [tilespmem:s15], [sflag:$0x4], $0xA000, $0x38;
	[tilespmem:$0x1E200] =	vst v63  }
0xcd: {  	_ =	swait.ge [sflag:s4], $0xA000  }
0xce: {  	[sflag:s4] =	ssyncset.done $0x0  }
0xcf: {  	[sflag:s4] =	ssyncadd.s32 $0xFFFF6000  }
0xd0: {  	v3 =	vld [tilespmem:$0x78];
	_ =	sdelay $0x4  }
0xd1: {  	v35 =	vshll.u32 v3, $0x3  }
0xd2: {  	v3 =	vand.u32 $0x7, v3;
	v4 =	vand.u32 $0xFFFFFFC0, v35  }
0xd3: {  	v3 =	vor.u32 v3, v4  }
0xd4: {  	v4 =	vperm.xlane v3, v0;
	_ =	sdelay $0x1  }
0xd5: {  	v4 =	vadd.s32 v1, v4;
	_ =	sdelay $0x4  }
0xd6: {  	[tilespmem:s15], [sflag:$0x1] =	stream.indirect_vreg.gather [hbm4b:s2+s3], $0x80, v4, vm0, $0xb8;
	[tilespmem:$0x1E200] =	vst v63  }
0xd7: {  	s24 =	simm.s32 $0xA00;
	v3 =	vperm.xlane v3, v2  }
0xd8: {  	[tilespmem:s24], [sflag:$0x1] =	stream.indirect_vreg.gather [hbm4b:s5+s3], $0x80, v4, vm0, $0xb8;
	[tilespmem:$0x1E200] =	vst v63  }
0xd9: {  	s31 =	simm.s32 $0x1200;
	v3 =	vadd.s32 v1, v3  }
0xda: {  	[tilespmem:s31], [sflag:$0x1] =	stream.indirect_vreg.gather [hbm4b:s6+s3], $0x80, v4, vm0, $0xb8;
	[tilespmem:$0x1E200] =	vst v63  }
0xdb: {  	s31 =	simm.s32 $0x1A00  }
0xdc: {  	[tilespmem:s31], [sflag:$0x1] =	stream.indirect_vreg.gather [hbm4b:s7+s3], $0x80, v4, vm0, $0xb8;
	[tilespmem:$0x1E200] =	vst v63  }
0xdd: {  	s16 =	simm.s32 $0x2200  }
0xde: {  	[tilespmem:s16], [sflag:$0x1] =	stream.indirect_vreg.gather [hbm4b:s2+s3], $0x80, v3, vm0, $0xb8;
	[tilespmem:$0x1E200] =	vst v63  }
0xdf: {  	s17 =	simm.s32 $0x2A00  }
0xe0: {  	[tilespmem:s17], [sflag:$0x1] =	stream.indirect_vreg.gather [hbm4b:s5+s3], $0x80, v3, vm0, $0xb8;
	[tilespmem:$0x1E200] =	vst v63  }
0xe1: {  	s18 =	simm.s32 $0x3200  }
0xe2: {  	[tilespmem:s18], [sflag:$0x1] =	stream.indirect_vreg.gather [hbm4b:s6+s3], $0x80, v3, vm0, $0xb8;
	[tilespmem:$0x1E200] =	vst v63  }
0xe3: {  	s25 =	simm.s32 $0x3A00  }
0xe4: {  	[tilespmem:s25], [sflag:$0x1] =	stream.indirect_vreg.gather [hbm4b:s7+s3], $0x80, v3, vm0, $0xb8;
	[tilespmem:$0x1E200] =	vst v63  }
0xe5: {  	v3 =	vld [tilespmem:$0x88];
	_ =	sdelay $0x4  }
0xe6: {  	v36 =	vshll.u32 v3, $0x3  }
0xe7: {  	v3 =	vand.u32 $0x7, v3;
	v4 =	vand.u32 $0xFFFFFFC0, v36  }
0xe8: {  	v3 =	vor.u32 v3, v4  }
0xe9: {  	v4 =	vperm.xlane v3, v0;
	_ =	sdelay $0x1  }
0xea: {  	v4 =	vadd.s32 v1, v4;
	_ =	sdelay $0x3  }
0xeb: {  	s12 =	simm.s32 $0x4200  }
0xec: {  	[tilespmem:s12], [sflag:$0x1] =	stream.indirect_vreg.gather [hbm4b:s2+s3], $0x80, v4, vm0, $0xb8;
	[tilespmem:$0x1E200] =	vst v63  }
0xed: {  	s13 =	simm.s32 $0x4A00;
	v3 =	vperm.xlane v3, v2  }
0xee: {  	[tilespmem:s13], [sflag:$0x1] =	stream.indirect_vreg.gather [hbm4b:s5+s3], $0x80, v4, vm0, $0xb8;
	[tilespmem:$0x1E200] =	vst v63  }
0xef: {  	s19 =	simm.s32 $0x5200;
	v3 =	vadd.s32 v1, v3  }
0xf0: {  	[tilespmem:s19], [sflag:$0x1] =	stream.indirect_vreg.gather [hbm4b:s6+s3], $0x80, v4, vm0, $0xb8;
	[tilespmem:$0x1E200] =	vst v63  }
0xf1: {  	s20 =	simm.s32 $0x5A00  }
0xf2: {  	[tilespmem:s20], [sflag:$0x1] =	stream.indirect_vreg.gather [hbm4b:s7+s3], $0x80, v4, vm0, $0xb8;
	[tilespmem:$0x1E200] =	vst v63  }
0xf3: {  	s21 =	simm.s32 $0x6200  }
0xf4: {  	[tilespmem:s21], [sflag:$0x1] =	stream.indirect_vreg.gather [hbm4b:s2+s3], $0x80, v3, vm0, $0xb8;
	[tilespmem:$0x1E200] =	vst v63  }
0xf5: {  	s22 =	simm.s32 $0x6A00  }
0xf6: {  	[tilespmem:s22], [sflag:$0x1] =	stream.indirect_vreg.gather [hbm4b:s5+s3], $0x80, v3, vm0, $0xb8;
	[tilespmem:$0x1E200] =	vst v63  }
0xf7: {  	s23 =	simm.s32 $0x7200  }
0xf8: {  	[tilespmem:s23], [sflag:$0x1] =	stream.indirect_vreg.gather [hbm4b:s6+s3], $0x80, v3, vm0, $0xb8;
	[tilespmem:$0x1E200] =	vst v63  }
0xf9: {  	s14 =	simm.s32 $0x7A00  }
0xfa: {  	[tilespmem:s14], [sflag:$0x1] =	stream.indirect_vreg.gather [hbm4b:s7+s3], $0x80, v3, vm0, $0xb8;
	[tilespmem:$0x1E200] =	vst v63  }
0xfb: {  	v3 =	vld.msk [tilespmem:$0x98], $0xff;
	_ =	sdelay $0x4  }
0xfc: {  	v37 =	vshll.u32 v3, $0x3  }
0xfd: {  	v3 =	vand.u32 $0x7, v3;
	v4 =	vand.u32 $0xFFFFFFC0, v37  }
0xfe: {  	v3 =	vor.u32 v3, v4  }
0xff: {  	v3 =	vperm.xlane v3, v0;
	_ =	sdelay $0x1  }
0x100: {  	v3 =	vadd.s32 v1, v3;
	_ =	sdelay $0x3  }
0x101: {  	s23 =	simm.s32 $0x8200  }
0x102: {  	[tilespmem:s23], [sflag:$0x1] =	stream.indirect_vreg.gather [hbm4b:s2+s3], $0x80, v3, vm0, $0xb8;
	[tilespmem:$0x1E200] =	vst v63  }
0x103: {  	s25 =	simm.s32 $0x8A00  }
0x104: {  	[tilespmem:s25], [sflag:$0x1] =	stream.indirect_vreg.gather [hbm4b:s5+s3], $0x80, v3, vm0, $0xb8;
	[tilespmem:$0x1E200] =	vst v63  }
0x105: {  	s23 =	simm.s32 $0x9200  }
0x106: {  	[tilespmem:s23], [sflag:$0x1] =	stream.indirect_vreg.gather [hbm4b:s6+s3], $0x80, v3, vm0, $0xb8;
	[tilespmem:$0x1E200] =	vst v63  }
0x107: {  	s11 =	simm.s32 $0x9A00  }
0x108: {  	[tilespmem:s11], [sflag:$0x1] =	stream.indirect_vreg.gather [hbm4b:s7+s3], $0x80, v3, vm0, $0xb8;
	[tilespmem:$0x1E200] =	vst v63  }
0x109: {  	_ =	swait.ge [sflag:s26], $0xA000  }
0x10a: {  	[sflag:s26] =	ssyncset.done $0x0  }
0x10b: {  	s25 =	rddreg [dreg:$0x5];
	[sflag:s26] =	ssyncadd.s32 $0xFFFF6000  }
0x10c: {  	[hbm4b:s25+s3] =	stream.linear.scatter [tilespmem:s10], [sflag:$0x5], $0xA000, $0x38;
	[tilespmem:$0x1E200] =	vst v63  }
0x10d: {  	_ =	swait.ge [sflag:s28], $0xA000  }
0x10e: {  	[sflag:s28] =	ssyncset.done $0x0  }
0x10f: {  	[sflag:s28] =	ssyncadd.s32 $0xFFFF6000  }
0x110: {  	v3 =	vld [tilespmem:$0xA0];
	_ =	sdelay $0x4  }
0x111: {  	v38 =	vshll.u32 v3, $0x3  }
0x112: {  	v3 =	vand.u32 $0x7, v3;
	v4 =	vand.u32 $0xFFFFFFC0, v38  }
0x113: {  	v3 =	vor.u32 v3, v4  }
0x114: {  	v4 =	vperm.xlane v3, v0;
	_ =	sdelay $0x1  }
0x115: {  	v4 =	vadd.s32 v1, v4;
	_ =	sdelay $0x4  }
0x116: {  	[tilespmem:s10], [sflag:$0x2] =	stream.indirect_vreg.gather [hbm4b:s2+s3], $0x80, v4, vm0, $0xb8;
	[tilespmem:$0x1E200] =	vst v63  }
0x117: {  	s11 =	simm.s32 $0xAA00;
	v3 =	vperm.xlane v3, v2  }
0x118: {  	[tilespmem:s11], [sflag:$0x2] =	stream.indirect_vreg.gather [hbm4b:s5+s3], $0x80, v4, vm0, $0xb8;
	[tilespmem:$0x1E200] =	vst v63  }
0x119: {  	s23 =	simm.s32 $0xB200;
	v3 =	vadd.s32 v1, v3  }
0x11a: {  	[tilespmem:s23], [sflag:$0x2] =	stream.indirect_vreg.gather [hbm4b:s6+s3], $0x80, v4, vm0, $0xb8;
	[tilespmem:$0x1E200] =	vst v63  }
0x11b: {  	s25 =	simm.s32 $0xBA00  }
0x11c: {  	[tilespmem:s25], [sflag:$0x2] =	stream.indirect_vreg.gather [hbm4b:s7+s3], $0x80, v4, vm0, $0xb8;
	[tilespmem:$0x1E200] =	vst v63  }
0x11d: {  	s11 =	simm.s32 $0xC200  }
0x11e: {  	[tilespmem:s11], [sflag:$0x2] =	stream.indirect_vreg.gather [hbm4b:s2+s3], $0x80, v3, vm0, $0xb8;
	[tilespmem:$0x1E200] =	vst v63  }
0x11f: {  	s23 =	simm.s32 $0xCA00  }
0x120: {  	[tilespmem:s23], [sflag:$0x2] =	stream.indirect_vreg.gather [hbm4b:s5+s3], $0x80, v3, vm0, $0xb8;
	[tilespmem:$0x1E200] =	vst v63  }
0x121: {  	s25 =	simm.s32 $0xD200  }
0x122: {  	[tilespmem:s25], [sflag:$0x2] =	stream.indirect_vreg.gather [hbm4b:s6+s3], $0x80, v3, vm0, $0xb8;
	[tilespmem:$0x1E200] =	vst v63  }
0x123: {  	s11 =	simm.s32 $0xDA00  }
0x124: {  	[tilespmem:s11], [sflag:$0x2] =	stream.indirect_vreg.gather [hbm4b:s7+s3], $0x80, v3, vm0, $0xb8;
	[tilespmem:$0x1E200] =	vst v63  }
0x125: {  	v3 =	vld [tilespmem:$0xB0];
	_ =	sdelay $0x4  }
0x126: {  	v39 =	vshll.u32 v3, $0x3  }
0x127: {  	v3 =	vand.u32 $0x7, v3;
	v4 =	vand.u32 $0xFFFFFFC0, v39  }
0x128: {  	v3 =	vor.u32 v3, v4  }
0x129: {  	v4 =	vperm.xlane v3, v0;
	_ =	sdelay $0x1  }
0x12a: {  	v4 =	vadd.s32 v1, v4;
	_ =	sdelay $0x3  }
0x12b: {  	s23 =	simm.s32 $0xE200  }
0x12c: {  	[tilespmem:s23], [sflag:$0x2] =	stream.indirect_vreg.gather [hbm4b:s2+s3], $0x80, v4, vm0, $0xb8;
	[tilespmem:$0x1E200] =	vst v63  }
0x12d: {  	s25 =	simm.s32 $0xEA00;
	v3 =	vperm.xlane v3, v2  }
0x12e: {  	[tilespmem:s25], [sflag:$0x2] =	stream.indirect_vreg.gather [hbm4b:s5+s3], $0x80, v4, vm0, $0xb8;
	[tilespmem:$0x1E200] =	vst v63  }
0x12f: {  	s11 =	simm.s32 $0xF200;
	v3 =	vadd.s32 v1, v3  }
0x130: {  	[tilespmem:s11], [sflag:$0x2] =	stream.indirect_vreg.gather [hbm4b:s6+s3], $0x80, v4, vm0, $0xb8;
	[tilespmem:$0x1E200] =	vst v63  }
0x131: {  	s23 =	simm.s32 $0xFA00  }
0x132: {  	[tilespmem:s23], [sflag:$0x2] =	stream.indirect_vreg.gather [hbm4b:s7+s3], $0x80, v4, vm0, $0xb8;
	[tilespmem:$0x1E200] =	vst v63  }
0x133: {  	s25 =	simm.s32 $0x10200  }
0x134: {  	[tilespmem:s25], [sflag:$0x2] =	stream.indirect_vreg.gather [hbm4b:s2+s3], $0x80, v3, vm0, $0xb8;
	[tilespmem:$0x1E200] =	vst v63  }
0x135: {  	s11 =	simm.s32 $0x10A00  }
0x136: {  	[tilespmem:s11], [sflag:$0x2] =	stream.indirect_vreg.gather [hbm4b:s5+s3], $0x80, v3, vm0, $0xb8;
	[tilespmem:$0x1E200] =	vst v63  }
0x137: {  	s23 =	simm.s32 $0x11200  }
0x138: {  	[tilespmem:s23], [sflag:$0x2] =	stream.indirect_vreg.gather [hbm4b:s6+s3], $0x80, v3, vm0, $0xb8;
	[tilespmem:$0x1E200] =	vst v63  }
0x139: {  	s25 =	simm.s32 $0x11A00  }
0x13a: {  	[tilespmem:s25], [sflag:$0x2] =	stream.indirect_vreg.gather [hbm4b:s7+s3], $0x80, v3, vm0, $0xb8;
	[tilespmem:$0x1E200] =	vst v63  }
0x13b: {  	v3 =	vld.msk [tilespmem:$0xC0], $0xff;
	_ =	sdelay $0x4  }
0x13c: {  	v40 =	vshll.u32 v3, $0x3  }
0x13d: {  	v3 =	vand.u32 $0x7, v3;
	v4 =	vand.u32 $0xFFFFFFC0, v40  }
0x13e: {  	v3 =	vor.u32 v3, v4  }
0x13f: {  	v3 =	vperm.xlane v3, v0;
	_ =	sdelay $0x1  }
0x140: {  	v3 =	vadd.s32 v1, v3;
	_ =	sdelay $0x3  }
0x141: {  	s11 =	simm.s32 $0x12200  }
0x142: {  	[tilespmem:s11], [sflag:$0x2] =	stream.indirect_vreg.gather [hbm4b:s2+s3], $0x80, v3, vm0, $0xb8;
	[tilespmem:$0x1E200] =	vst v63  }
0x143: {  	s23 =	simm.s32 $0x12A00  }
0x144: {  	[tilespmem:s23], [sflag:$0x2] =	stream.indirect_vreg.gather [hbm4b:s5+s3], $0x80, v3, vm0, $0xb8;
	[tilespmem:$0x1E200] =	vst v63  }
0x145: {  	s25 =	simm.s32 $0x13200  }
0x146: {  	[tilespmem:s25], [sflag:$0x2] =	stream.indirect_vreg.gather [hbm4b:s6+s3], $0x80, v3, vm0, $0xb8;
	[tilespmem:$0x1E200] =	vst v63  }
0x147: {  	s11 =	simm.s32 $0x13A00  }
0x148: {  	[tilespmem:s11], [sflag:$0x2] =	stream.indirect_vreg.gather [hbm4b:s7+s3], $0x80, v3, vm0, $0xb8;
	[tilespmem:$0x1E200] =	vst v63  }
0x149: {  	_ =	swait.ge [sflag:s29], $0xA000  }
0x14a: {  	[sflag:s29] =	ssyncset.done $0x0  }
0x14b: {  	s23 =	rddreg [dreg:$0x6];
	[sflag:s29] =	ssyncadd.s32 $0xFFFF6000  }
0x14c: {  	[hbm4b:s23+s3] =	stream.linear.scatter [tilespmem:s9], [sflag:$0x6], $0xA000, $0x38;
	[tilespmem:$0x1E200] =	vst v63  }
0x14d: {  	_ =	swait.ge [sflag:s30], $0xA000  }
0x14e: {  	[sflag:s30] =	ssyncset.done $0x0  }
0x14f: {  	[sflag:s30] =	ssyncadd.s32 $0xFFFF6000  }
0x150: {  	v3 =	vld [tilespmem:$0xC8];
	_ =	sdelay $0x4  }
0x151: {  	v41 =	vshll.u32 v3, $0x3  }
0x152: {  	v3 =	vand.u32 $0x7, v3;
	v4 =	vand.u32 $0xFFFFFFC0, v41  }
0x153: {  	v3 =	vor.u32 v3, v4  }
0x154: {  	v4 =	vperm.xlane v3, v0;
	_ =	sdelay $0x1  }
0x155: {  	v4 =	vadd.s32 v1, v4;
	_ =	sdelay $0x4  }
0x156: {  	[tilespmem:s9], [sflag:$0x3] =	stream.indirect_vreg.gather [hbm4b:s2+s3], $0x80, v4, vm0, $0xb8;
	[tilespmem:$0x1E200] =	vst v63  }
0x157: {  	s25 =	simm.s32 $0x14A00;
	v3 =	vperm.xlane v3, v2  }
0x158: {  	[tilespmem:s25], [sflag:$0x3] =	stream.indirect_vreg.gather [hbm4b:s5+s3], $0x80, v4, vm0, $0xb8;
	[tilespmem:$0x1E200] =	vst v63  }
0x159: {  	s11 =	simm.s32 $0x15200;
	v3 =	vadd.s32 v1, v3  }
0x15a: {  	[tilespmem:s11], [sflag:$0x3] =	stream.indirect_vreg.gather [hbm4b:s6+s3], $0x80, v4, vm0, $0xb8;
	[tilespmem:$0x1E200] =	vst v63  }
0x15b: {  	s23 =	simm.s32 $0x15A00  }
0x15c: {  	[tilespmem:s23], [sflag:$0x3] =	stream.indirect_vreg.gather [hbm4b:s7+s3], $0x80, v4, vm0, $0xb8;
	[tilespmem:$0x1E200] =	vst v63  }
0x15d: {  	s25 =	simm.s32 $0x16200  }
0x15e: {  	[tilespmem:s25], [sflag:$0x3] =	stream.indirect_vreg.gather [hbm4b:s2+s3], $0x80, v3, vm0, $0xb8;
	[tilespmem:$0x1E200] =	vst v63  }
0x15f: {  	s11 =	simm.s32 $0x16A00  }
0x160: {  	[tilespmem:s11], [sflag:$0x3] =	stream.indirect_vreg.gather [hbm4b:s5+s3], $0x80, v3, vm0, $0xb8;
	[tilespmem:$0x1E200] =	vst v63  }
0x161: {  	s23 =	simm.s32 $0x17200  }
0x162: {  	[tilespmem:s23], [sflag:$0x3] =	stream.indirect_vreg.gather [hbm4b:s6+s3], $0x80, v3, vm0, $0xb8;
	[tilespmem:$0x1E200] =	vst v63  }
0x163: {  	s25 =	simm.s32 $0x17A00  }
0x164: {  	[tilespmem:s25], [sflag:$0x3] =	stream.indirect_vreg.gather [hbm4b:s7+s3], $0x80, v3, vm0, $0xb8;
	[tilespmem:$0x1E200] =	vst v63  }
0x165: {  	v3 =	vld [tilespmem:$0xD8];
	_ =	sdelay $0x4  }
0x166: {  	v42 =	vshll.u32 v3, $0x3  }
0x167: {  	v3 =	vand.u32 $0x7, v3;
	v4 =	vand.u32 $0xFFFFFFC0, v42  }
0x168: {  	v3 =	vor.u32 v3, v4  }
0x169: {  	v4 =	vperm.xlane v3, v0;
	_ =	sdelay $0x1  }
0x16a: {  	v4 =	vadd.s32 v1, v4;
	_ =	sdelay $0x3  }
0x16b: {  	s11 =	simm.s32 $0x18200  }
0x16c: {  	[tilespmem:s11], [sflag:$0x3] =	stream.indirect_vreg.gather [hbm4b:s2+s3], $0x80, v4, vm0, $0xb8;
	[tilespmem:$0x1E200] =	vst v63  }
0x16d: {  	s23 =	simm.s32 $0x18A00;
	v3 =	vperm.xlane v3, v2  }
0x16e: {  	[tilespmem:s23], [sflag:$0x3] =	stream.indirect_vreg.gather [hbm4b:s5+s3], $0x80, v4, vm0, $0xb8;
	[tilespmem:$0x1E200] =	vst v63  }
0x16f: {  	s25 =	simm.s32 $0x19200;
	v3 =	vadd.s32 v1, v3  }
0x170: {  	[tilespmem:s25], [sflag:$0x3] =	stream.indirect_vreg.gather [hbm4b:s6+s3], $0x80, v4, vm0, $0xb8;
	[tilespmem:$0x1E200] =	vst v63  }
0x171: {  	s11 =	simm.s32 $0x19A00  }
0x172: {  	[tilespmem:s11], [sflag:$0x3] =	stream.indirect_vreg.gather [hbm4b:s7+s3], $0x80, v4, vm0, $0xb8;
	[tilespmem:$0x1E200] =	vst v63  }
0x173: {  	s23 =	simm.s32 $0x1A200  }
0x174: {  	[tilespmem:s23], [sflag:$0x3] =	stream.indirect_vreg.gather [hbm4b:s2+s3], $0x80, v3, vm0, $0xb8;
	[tilespmem:$0x1E200] =	vst v63  }
0x175: {  	s25 =	simm.s32 $0x1AA00  }
0x176: {  	[tilespmem:s25], [sflag:$0x3] =	stream.indirect_vreg.gather [hbm4b:s5+s3], $0x80, v3, vm0, $0xb8;
	[tilespmem:$0x1E200] =	vst v63  }
0x177: {  	s11 =	simm.s32 $0x1B200  }
0x178: {  	[tilespmem:s11], [sflag:$0x3] =	stream.indirect_vreg.gather [hbm4b:s6+s3], $0x80, v3, vm0, $0xb8;
	[tilespmem:$0x1E200] =	vst v63  }
0x179: {  	s23 =	simm.s32 $0x1BA00  }
0x17a: {  	[tilespmem:s23], [sflag:$0x3] =	stream.indirect_vreg.gather [hbm4b:s7+s3], $0x80, v3, vm0, $0xb8;
	[tilespmem:$0x1E200] =	vst v63  }
0x17b: {  	v3 =	vld.msk [tilespmem:$0xE8], $0xff;
	_ =	sdelay $0x4  }
0x17c: {  	v43 =	vshll.u32 v3, $0x3  }
0x17d: {  	v3 =	vand.u32 $0x7, v3;
	v4 =	vand.u32 $0xFFFFFFC0, v43  }
0x17e: {  	v3 =	vor.u32 v3, v4  }
0x17f: {  	v3 =	vperm.xlane v3, v0;
	_ =	sdelay $0x1  }
0x180: {  	v3 =	vadd.s32 v1, v3;
	_ =	sdelay $0x3  }
0x181: {  	s25 =	simm.s32 $0x1C200  }
0x182: {  	[tilespmem:s25], [sflag:$0x3] =	stream.indirect_vreg.gather [hbm4b:s2+s3], $0x80, v3, vm0, $0xb8;
	[tilespmem:$0x1E200] =	vst v63  }
0x183: {  	s11 =	simm.s32 $0x1CA00  }
0x184: {  	[tilespmem:s11], [sflag:$0x3] =	stream.indirect_vreg.gather [hbm4b:s5+s3], $0x80, v3, vm0, $0xb8;
	[tilespmem:$0x1E200] =	vst v63  }
0x185: {  	s23 =	simm.s32 $0x1D200  }
0x186: {  	[tilespmem:s23], [sflag:$0x3] =	stream.indirect_vreg.gather [hbm4b:s6+s3], $0x80, v3, vm0, $0xb8;
	[tilespmem:$0x1E200] =	vst v63  }
0x187: {  	s25 =	simm.s32 $0x1DA00  }
0x188: {  	[tilespmem:s25], [sflag:$0x3] =	stream.indirect_vreg.gather [hbm4b:s7+s3], $0x80, v3, vm0, $0xb8;
	[tilespmem:$0x1E200] =	vst v63  }
0x189: {  	_ =	swait.ge [sflag:s1], $0xA000  }
0x18a: {  	[sflag:s1] =	ssyncset.done $0x0  }
0x18b: {  	s11 =	rddreg [dreg:$0x7];
	[sflag:s1] =	ssyncadd.s32 $0xFFFF6000  }
0x18c: {  	[hbm4b:s11+s3] =	stream.linear.scatter [tilespmem:s15], [sflag:$0x4], $0xA000, $0x38;
	[tilespmem:$0x1E200] =	vst v63  }
0x18d: {  	_ =	swait.ge [sflag:s4], $0xA000  }
0x18e: {  	[sflag:s4] =	ssyncset.done $0x0  }
0x18f: {  	[sflag:s4] =	ssyncadd.s32 $0xFFFF6000  }
0x190: {  	v3 =	vld [tilespmem:$0xF0];
	_ =	sdelay $0x4  }
0x191: {  	v44 =	vshll.u32 v3, $0x3  }
0x192: {  	v3 =	vand.u32 $0x7, v3;
	v4 =	vand.u32 $0xFFFFFFC0, v44  }
0x193: {  	v3 =	vor.u32 v3, v4  }
0x194: {  	v4 =	vperm.xlane v3, v0;
	_ =	sdelay $0x1  }
0x195: {  	v4 =	vadd.s32 v1, v4;
	_ =	sdelay $0x4  }
0x196: {  	[tilespmem:s15], [sflag:$0x1] =	stream.indirect_vreg.gather [hbm4b:s2+s3], $0x80, v4, vm0, $0xb8;
	[tilespmem:$0x1E200] =	vst v63  }
0x197: {  	s23 =	simm.s32 $0xA00;
	v3 =	vperm.xlane v3, v2  }
0x198: {  	[tilespmem:s23], [sflag:$0x1] =	stream.indirect_vreg.gather [hbm4b:s5+s3], $0x80, v4, vm0, $0xb8;
	[tilespmem:$0x1E200] =	vst v63  }
0x199: {  	s24 =	simm.s32 $0x1200;
	v3 =	vadd.s32 v1, v3  }
0x19a: {  	[tilespmem:s24], [sflag:$0x1] =	stream.indirect_vreg.gather [hbm4b:s6+s3], $0x80, v4, vm0, $0xb8;
	[tilespmem:$0x1E200] =	vst v63  }
0x19b: {  	s25 =	simm.s32 $0x1A00  }
0x19c: {  	[tilespmem:s25], [sflag:$0x1] =	stream.indirect_vreg.gather [hbm4b:s7+s3], $0x80, v4, vm0, $0xb8;
	[tilespmem:$0x1E200] =	vst v63  }
0x19d: {  	s11 =	simm.s32 $0x2200  }
0x19e: {  	[tilespmem:s11], [sflag:$0x1] =	stream.indirect_vreg.gather [hbm4b:s2+s3], $0x80, v3, vm0, $0xb8;
	[tilespmem:$0x1E200] =	vst v63  }
0x19f: {  	s17 =	simm.s32 $0x2A00  }
0x1a0: {  	[tilespmem:s17], [sflag:$0x1] =	stream.indirect_vreg.gather [hbm4b:s5+s3], $0x80, v3, vm0, $0xb8;
	[tilespmem:$0x1E200] =	vst v63  }
0x1a1: {  	s18 =	simm.s32 $0x3200  }
0x1a2: {  	[tilespmem:s18], [sflag:$0x1] =	stream.indirect_vreg.gather [hbm4b:s6+s3], $0x80, v3, vm0, $0xb8;
	[tilespmem:$0x1E200] =	vst v63  }
0x1a3: {  	s16 =	simm.s32 $0x3A00  }
0x1a4: {  	[tilespmem:s16], [sflag:$0x1] =	stream.indirect_vreg.gather [hbm4b:s7+s3], $0x80, v3, vm0, $0xb8;
	[tilespmem:$0x1E200] =	vst v63  }
0x1a5: {  	v3 =	vld [tilespmem:$0x100];
	_ =	sdelay $0x4  }
0x1a6: {  	v45 =	vshll.u32 v3, $0x3  }
0x1a7: {  	v3 =	vand.u32 $0x7, v3;
	v4 =	vand.u32 $0xFFFFFFC0, v45  }
0x1a8: {  	v3 =	vor.u32 v3, v4  }
0x1a9: {  	v4 =	vperm.xlane v3, v0;
	_ =	sdelay $0x1  }
0x1aa: {  	v4 =	vadd.s32 v1, v4;
	_ =	sdelay $0x3  }
0x1ab: {  	s31 =	simm.s32 $0x4200  }
0x1ac: {  	[tilespmem:s31], [sflag:$0x1] =	stream.indirect_vreg.gather [hbm4b:s2+s3], $0x80, v4, vm0, $0xb8;
	[tilespmem:$0x1E200] =	vst v63  }
0x1ad: {  	s13 =	simm.s32 $0x4A00;
	v3 =	vperm.xlane v3, v2  }
0x1ae: {  	[tilespmem:s13], [sflag:$0x1] =	stream.indirect_vreg.gather [hbm4b:s5+s3], $0x80, v4, vm0, $0xb8;
	[tilespmem:$0x1E200] =	vst v63  }
0x1af: {  	s12 =	simm.s32 $0x5200;
	v3 =	vadd.s32 v1, v3  }
0x1b0: {  	[tilespmem:s12], [sflag:$0x1] =	stream.indirect_vreg.gather [hbm4b:s6+s3], $0x80, v4, vm0, $0xb8;
	[tilespmem:$0x1E200] =	vst v63  }
0x1b1: {  	s19 =	simm.s32 $0x5A00  }
0x1b2: {  	[tilespmem:s19], [sflag:$0x1] =	stream.indirect_vreg.gather [hbm4b:s7+s3], $0x80, v4, vm0, $0xb8;
	[tilespmem:$0x1E200] =	vst v63  }
0x1b3: {  	s20 =	simm.s32 $0x6200  }
0x1b4: {  	[tilespmem:s20], [sflag:$0x1] =	stream.indirect_vreg.gather [hbm4b:s2+s3], $0x80, v3, vm0, $0xb8;
	[tilespmem:$0x1E200] =	vst v63  }
0x1b5: {  	s21 =	simm.s32 $0x6A00  }
0x1b6: {  	[tilespmem:s21], [sflag:$0x1] =	stream.indirect_vreg.gather [hbm4b:s5+s3], $0x80, v3, vm0, $0xb8;
	[tilespmem:$0x1E200] =	vst v63  }
0x1b7: {  	s22 =	simm.s32 $0x7200  }
0x1b8: {  	[tilespmem:s22], [sflag:$0x1] =	stream.indirect_vreg.gather [hbm4b:s6+s3], $0x80, v3, vm0, $0xb8;
	[tilespmem:$0x1E200] =	vst v63  }
0x1b9: {  	s14 =	simm.s32 $0x7A00  }
0x1ba: {  	[tilespmem:s14], [sflag:$0x1] =	stream.indirect_vreg.gather [hbm4b:s7+s3], $0x80, v3, vm0, $0xb8;
	[tilespmem:$0x1E200] =	vst v63  }
0x1bb: {  	v3 =	vld.msk [tilespmem:$0x110], $0xff;
	_ =	sdelay $0x4  }
0x1bc: {  	v46 =	vshll.u32 v3, $0x3  }
0x1bd: {  	v3 =	vand.u32 $0x7, v3;
	v4 =	vand.u32 $0xFFFFFFC0, v46  }
0x1be: {  	v3 =	vor.u32 v3, v4  }
0x1bf: {  	v3 =	vperm.xlane v3, v0;
	_ =	sdelay $0x1  }
0x1c0: {  	v3 =	vadd.s32 v1, v3;
	_ =	sdelay $0x3  }
0x1c1: {  	s20 =	simm.s32 $0x8200  }
0x1c2: {  	[tilespmem:s20], [sflag:$0x1] =	stream.indirect_vreg.gather [hbm4b:s2+s3], $0x80, v3, vm0, $0xb8;
	[tilespmem:$0x1E200] =	vst v63  }
0x1c3: {  	s22 =	simm.s32 $0x8A00  }
0x1c4: {  	[tilespmem:s22], [sflag:$0x1] =	stream.indirect_vreg.gather [hbm4b:s5+s3], $0x80, v3, vm0, $0xb8;
	[tilespmem:$0x1E200] =	vst v63  }
0x1c5: {  	s14 =	simm.s32 $0x9200  }
0x1c6: {  	[tilespmem:s14], [sflag:$0x1] =	stream.indirect_vreg.gather [hbm4b:s6+s3], $0x80, v3, vm0, $0xb8;
	[tilespmem:$0x1E200] =	vst v63  }
0x1c7: {  	s19 =	simm.s32 $0x9A00  }
0x1c8: {  	[tilespmem:s19], [sflag:$0x1] =	stream.indirect_vreg.gather [hbm4b:s7+s3], $0x80, v3, vm0, $0xb8;
	[tilespmem:$0x1E200] =	vst v63  }
0x1c9: {  	_ =	swait.ge [sflag:s26], $0xA000  }
0x1ca: {  	[sflag:s26] =	ssyncset.done $0x0  }
0x1cb: {  	s20 =	rddreg [dreg:$0x8];
	[sflag:s26] =	ssyncadd.s32 $0xFFFF6000  }
0x1cc: {  	[hbm4b:s20+s3] =	stream.linear.scatter [tilespmem:s10], [sflag:$0x5], $0xA000, $0x38;
	[tilespmem:$0x1E200] =	vst v63  }
0x1cd: {  	_ =	swait.ge [sflag:s28], $0xA000  }
0x1ce: {  	[sflag:s28] =	ssyncset.done $0x0  }
0x1cf: {  	[sflag:s28] =	ssyncadd.s32 $0xFFFF6000  }
0x1d0: {  	v3 =	vld [tilespmem:$0x118];
	_ =	sdelay $0x4  }
0x1d1: {  	v47 =	vshll.u32 v3, $0x3  }
0x1d2: {  	v3 =	vand.u32 $0x7, v3;
	v4 =	vand.u32 $0xFFFFFFC0, v47  }
0x1d3: {  	v3 =	vor.u32 v3, v4  }
0x1d4: {  	v4 =	vperm.xlane v3, v0;
	_ =	sdelay $0x1  }
0x1d5: {  	v4 =	vadd.s32 v1, v4;
	_ =	sdelay $0x4  }
0x1d6: {  	[tilespmem:s10], [sflag:$0x2] =	stream.indirect_vreg.gather [hbm4b:s2+s3], $0x80, v4, vm0, $0xb8;
	[tilespmem:$0x1E200] =	vst v63  }
0x1d7: {  	s22 =	simm.s32 $0xAA00;
	v3 =	vperm.xlane v3, v2  }
0x1d8: {  	[tilespmem:s22], [sflag:$0x2] =	stream.indirect_vreg.gather [hbm4b:s5+s3], $0x80, v4, vm0, $0xb8;
	[tilespmem:$0x1E200] =	vst v63  }
0x1d9: {  	s14 =	simm.s32 $0xB200;
	v3 =	vadd.s32 v1, v3  }
0x1da: {  	[tilespmem:s14], [sflag:$0x2] =	stream.indirect_vreg.gather [hbm4b:s6+s3], $0x80, v4, vm0, $0xb8;
	[tilespmem:$0x1E200] =	vst v63  }
0x1db: {  	s19 =	simm.s32 $0xBA00  }
0x1dc: {  	[tilespmem:s19], [sflag:$0x2] =	stream.indirect_vreg.gather [hbm4b:s7+s3], $0x80, v4, vm0, $0xb8;
	[tilespmem:$0x1E200] =	vst v63  }
0x1dd: {  	s20 =	simm.s32 $0xC200  }
0x1de: {  	[tilespmem:s20], [sflag:$0x2] =	stream.indirect_vreg.gather [hbm4b:s2+s3], $0x80, v3, vm0, $0xb8;
	[tilespmem:$0x1E200] =	vst v63  }
0x1df: {  	s22 =	simm.s32 $0xCA00  }
0x1e0: {  	[tilespmem:s22], [sflag:$0x2] =	stream.indirect_vreg.gather [hbm4b:s5+s3], $0x80, v3, vm0, $0xb8;
	[tilespmem:$0x1E200] =	vst v63  }
0x1e1: {  	s14 =	simm.s32 $0xD200  }
0x1e2: {  	[tilespmem:s14], [sflag:$0x2] =	stream.indirect_vreg.gather [hbm4b:s6+s3], $0x80, v3, vm0, $0xb8;
	[tilespmem:$0x1E200] =	vst v63  }
0x1e3: {  	s19 =	simm.s32 $0xDA00  }
0x1e4: {  	[tilespmem:s19], [sflag:$0x2] =	stream.indirect_vreg.gather [hbm4b:s7+s3], $0x80, v3, vm0, $0xb8;
	[tilespmem:$0x1E200] =	vst v63  }
0x1e5: {  	v3 =	vld [tilespmem:$0x128];
	_ =	sdelay $0x4  }
0x1e6: {  	v48 =	vshll.u32 v3, $0x3  }
0x1e7: {  	v3 =	vand.u32 $0x7, v3;
	v4 =	vand.u32 $0xFFFFFFC0, v48  }
0x1e8: {  	v3 =	vor.u32 v3, v4  }
0x1e9: {  	v4 =	vperm.xlane v3, v0;
	_ =	sdelay $0x1  }
0x1ea: {  	v4 =	vadd.s32 v1, v4;
	_ =	sdelay $0x3  }
0x1eb: {  	s20 =	simm.s32 $0xE200  }
0x1ec: {  	[tilespmem:s20], [sflag:$0x2] =	stream.indirect_vreg.gather [hbm4b:s2+s3], $0x80, v4, vm0, $0xb8;
	[tilespmem:$0x1E200] =	vst v63  }
0x1ed: {  	s22 =	simm.s32 $0xEA00;
	v3 =	vperm.xlane v3, v2  }
0x1ee: {  	[tilespmem:s22], [sflag:$0x2] =	stream.indirect_vreg.gather [hbm4b:s5+s3], $0x80, v4, vm0, $0xb8;
	[tilespmem:$0x1E200] =	vst v63  }
0x1ef: {  	s14 =	simm.s32 $0xF200;
	v3 =	vadd.s32 v1, v3  }
0x1f0: {  	[tilespmem:s14], [sflag:$0x2] =	stream.indirect_vreg.gather [hbm4b:s6+s3], $0x80, v4, vm0, $0xb8;
	[tilespmem:$0x1E200] =	vst v63  }
0x1f1: {  	s19 =	simm.s32 $0xFA00  }
0x1f2: {  	[tilespmem:s19], [sflag:$0x2] =	stream.indirect_vreg.gather [hbm4b:s7+s3], $0x80, v4, vm0, $0xb8;
	[tilespmem:$0x1E200] =	vst v63  }
0x1f3: {  	s20 =	simm.s32 $0x10200  }
0x1f4: {  	[tilespmem:s20], [sflag:$0x2] =	stream.indirect_vreg.gather [hbm4b:s2+s3], $0x80, v3, vm0, $0xb8;
	[tilespmem:$0x1E200] =	vst v63  }
0x1f5: {  	s22 =	simm.s32 $0x10A00  }
0x1f6: {  	[tilespmem:s22], [sflag:$0x2] =	stream.indirect_vreg.gather [hbm4b:s5+s3], $0x80, v3, vm0, $0xb8;
	[tilespmem:$0x1E200] =	vst v63  }
0x1f7: {  	s14 =	simm.s32 $0x11200  }
0x1f8: {  	[tilespmem:s14], [sflag:$0x2] =	stream.indirect_vreg.gather [hbm4b:s6+s3], $0x80, v3, vm0, $0xb8;
	[tilespmem:$0x1E200] =	vst v63  }
0x1f9: {  	s19 =	simm.s32 $0x11A00  }
0x1fa: {  	[tilespmem:s19], [sflag:$0x2] =	stream.indirect_vreg.gather [hbm4b:s7+s3], $0x80, v3, vm0, $0xb8;
	[tilespmem:$0x1E200] =	vst v63  }
0x1fb: {  	v3 =	vld.msk [tilespmem:$0x138], $0xff;
	_ =	sdelay $0x4  }
0x1fc: {  	v49 =	vshll.u32 v3, $0x3  }
0x1fd: {  	v3 =	vand.u32 $0x7, v3;
	v4 =	vand.u32 $0xFFFFFFC0, v49  }
0x1fe: {  	v3 =	vor.u32 v3, v4  }
0x1ff: {  	v3 =	vperm.xlane v3, v0;
	_ =	sdelay $0x1  }
0x200: {  	v3 =	vadd.s32 v1, v3;
	_ =	sdelay $0x3  }
0x201: {  	s20 =	simm.s32 $0x12200  }
0x202: {  	[tilespmem:s20], [sflag:$0x2] =	stream.indirect_vreg.gather [hbm4b:s2+s3], $0x80, v3, vm0, $0xb8;
	[tilespmem:$0x1E200] =	vst v63  }
0x203: {  	s22 =	simm.s32 $0x12A00  }
0x204: {  	[tilespmem:s22], [sflag:$0x2] =	stream.indirect_vreg.gather [hbm4b:s5+s3], $0x80, v3, vm0, $0xb8;
	[tilespmem:$0x1E200] =	vst v63  }
0x205: {  	s14 =	simm.s32 $0x13200  }
0x206: {  	[tilespmem:s14], [sflag:$0x2] =	stream.indirect_vreg.gather [hbm4b:s6+s3], $0x80, v3, vm0, $0xb8;
	[tilespmem:$0x1E200] =	vst v63  }
0x207: {  	s19 =	simm.s32 $0x13A00  }
0x208: {  	[tilespmem:s19], [sflag:$0x2] =	stream.indirect_vreg.gather [hbm4b:s7+s3], $0x80, v3, vm0, $0xb8;
	[tilespmem:$0x1E200] =	vst v63  }
0x209: {  	_ =	swait.ge [sflag:s29], $0xA000  }
0x20a: {  	[sflag:s29] =	ssyncset.done $0x0  }
0x20b: {  	s20 =	rddreg [dreg:$0x9];
	[sflag:s29] =	ssyncadd.s32 $0xFFFF6000  }
0x20c: {  	[hbm4b:s20+s3] =	stream.linear.scatter [tilespmem:s9], [sflag:$0x6], $0xA000, $0x38;
	[tilespmem:$0x1E200] =	vst v63  }
0x20d: {  	_ =	swait.ge [sflag:s30], $0xA000  }
0x20e: {  	[sflag:s30] =	ssyncset.done $0x0  }
0x20f: {  	[sflag:s30] =	ssyncadd.s32 $0xFFFF6000  }
0x210: {  	v3 =	vld [tilespmem:$0x140];
	_ =	sdelay $0x4  }
0x211: {  	v50 =	vshll.u32 v3, $0x3  }
0x212: {  	v3 =	vand.u32 $0x7, v3;
	v4 =	vand.u32 $0xFFFFFFC0, v50  }
0x213: {  	v3 =	vor.u32 v3, v4  }
0x214: {  	v4 =	vperm.xlane v3, v0;
	_ =	sdelay $0x1  }
0x215: {  	v4 =	vadd.s32 v1, v4;
	_ =	sdelay $0x4  }
0x216: {  	[tilespmem:s9], [sflag:$0x3] =	stream.indirect_vreg.gather [hbm4b:s2+s3], $0x80, v4, vm0, $0xb8;
	[tilespmem:$0x1E200] =	vst v63  }
0x217: {  	s22 =	simm.s32 $0x14A00;
	v3 =	vperm.xlane v3, v2  }
0x218: {  	[tilespmem:s22], [sflag:$0x3] =	stream.indirect_vreg.gather [hbm4b:s5+s3], $0x80, v4, vm0, $0xb8;
	[tilespmem:$0x1E200] =	vst v63  }
0x219: {  	s14 =	simm.s32 $0x15200;
	v3 =	vadd.s32 v1, v3  }
0x21a: {  	[tilespmem:s14], [sflag:$0x3] =	stream.indirect_vreg.gather [hbm4b:s6+s3], $0x80, v4, vm0, $0xb8;
	[tilespmem:$0x1E200] =	vst v63  }
0x21b: {  	s19 =	simm.s32 $0x15A00  }
0x21c: {  	[tilespmem:s19], [sflag:$0x3] =	stream.indirect_vreg.gather [hbm4b:s7+s3], $0x80, v4, vm0, $0xb8;
	[tilespmem:$0x1E200] =	vst v63  }
0x21d: {  	s20 =	simm.s32 $0x16200  }
0x21e: {  	[tilespmem:s20], [sflag:$0x3] =	stream.indirect_vreg.gather [hbm4b:s2+s3], $0x80, v3, vm0, $0xb8;
	[tilespmem:$0x1E200] =	vst v63  }
0x21f: {  	s22 =	simm.s32 $0x16A00  }
0x220: {  	[tilespmem:s22], [sflag:$0x3] =	stream.indirect_vreg.gather [hbm4b:s5+s3], $0x80, v3, vm0, $0xb8;
	[tilespmem:$0x1E200] =	vst v63  }
0x221: {  	s14 =	simm.s32 $0x17200  }
0x222: {  	[tilespmem:s14], [sflag:$0x3] =	stream.indirect_vreg.gather [hbm4b:s6+s3], $0x80, v3, vm0, $0xb8;
	[tilespmem:$0x1E200] =	vst v63  }
0x223: {  	s19 =	simm.s32 $0x17A00  }
0x224: {  	[tilespmem:s19], [sflag:$0x3] =	stream.indirect_vreg.gather [hbm4b:s7+s3], $0x80, v3, vm0, $0xb8;
	[tilespmem:$0x1E200] =	vst v63  }
0x225: {  	v3 =	vld [tilespmem:$0x150];
	_ =	sdelay $0x4  }
0x226: {  	v51 =	vshll.u32 v3, $0x3  }
0x227: {  	v3 =	vand.u32 $0x7, v3;
	v4 =	vand.u32 $0xFFFFFFC0, v51  }
0x228: {  	v3 =	vor.u32 v3, v4  }
0x229: {  	v4 =	vperm.xlane v3, v0;
	_ =	sdelay $0x1  }
0x22a: {  	v4 =	vadd.s32 v1, v4;
	_ =	sdelay $0x3  }
0x22b: {  	s20 =	simm.s32 $0x18200  }
0x22c: {  	[tilespmem:s20], [sflag:$0x3] =	stream.indirect_vreg.gather [hbm4b:s2+s3], $0x80, v4, vm0, $0xb8;
	[tilespmem:$0x1E200] =	vst v63  }
0x22d: {  	s22 =	simm.s32 $0x18A00;
	v3 =	vperm.xlane v3, v2  }
0x22e: {  	[tilespmem:s22], [sflag:$0x3] =	stream.indirect_vreg.gather [hbm4b:s5+s3], $0x80, v4, vm0, $0xb8;
	[tilespmem:$0x1E200] =	vst v63  }
0x22f: {  	s14 =	simm.s32 $0x19200;
	v3 =	vadd.s32 v1, v3  }
0x230: {  	[tilespmem:s14], [sflag:$0x3] =	stream.indirect_vreg.gather [hbm4b:s6+s3], $0x80, v4, vm0, $0xb8;
	[tilespmem:$0x1E200] =	vst v63  }
0x231: {  	s19 =	simm.s32 $0x19A00  }
0x232: {  	[tilespmem:s19], [sflag:$0x3] =	stream.indirect_vreg.gather [hbm4b:s7+s3], $0x80, v4, vm0, $0xb8;
	[tilespmem:$0x1E200] =	vst v63  }
0x233: {  	s20 =	simm.s32 $0x1A200  }
0x234: {  	[tilespmem:s20], [sflag:$0x3] =	stream.indirect_vreg.gather [hbm4b:s2+s3], $0x80, v3, vm0, $0xb8;
	[tilespmem:$0x1E200] =	vst v63  }
0x235: {  	s22 =	simm.s32 $0x1AA00  }
0x236: {  	[tilespmem:s22], [sflag:$0x3] =	stream.indirect_vreg.gather [hbm4b:s5+s3], $0x80, v3, vm0, $0xb8;
	[tilespmem:$0x1E200] =	vst v63  }
0x237: {  	s14 =	simm.s32 $0x1B200  }
0x238: {  	[tilespmem:s14], [sflag:$0x3] =	stream.indirect_vreg.gather [hbm4b:s6+s3], $0x80, v3, vm0, $0xb8;
	[tilespmem:$0x1E200] =	vst v63  }
0x239: {  	s19 =	simm.s32 $0x1BA00  }
0x23a: {  	[tilespmem:s19], [sflag:$0x3] =	stream.indirect_vreg.gather [hbm4b:s7+s3], $0x80, v3, vm0, $0xb8;
	[tilespmem:$0x1E200] =	vst v63  }
0x23b: {  	v3 =	vld.msk [tilespmem:$0x160], $0xff;
	_ =	sdelay $0x4  }
0x23c: {  	v52 =	vshll.u32 v3, $0x3  }
0x23d: {  	v3 =	vand.u32 $0x7, v3;
	v4 =	vand.u32 $0xFFFFFFC0, v52  }
0x23e: {  	v3 =	vor.u32 v3, v4  }
0x23f: {  	v3 =	vperm.xlane v3, v0;
	_ =	sdelay $0x1  }
0x240: {  	v3 =	vadd.s32 v1, v3;
	_ =	sdelay $0x3  }
0x241: {  	s20 =	simm.s32 $0x1C200  }
0x242: {  	[tilespmem:s20], [sflag:$0x3] =	stream.indirect_vreg.gather [hbm4b:s2+s3], $0x80, v3, vm0, $0xb8;
	[tilespmem:$0x1E200] =	vst v63  }
0x243: {  	s22 =	simm.s32 $0x1CA00  }
0x244: {  	[tilespmem:s22], [sflag:$0x3] =	stream.indirect_vreg.gather [hbm4b:s5+s3], $0x80, v3, vm0, $0xb8;
	[tilespmem:$0x1E200] =	vst v63  }
0x245: {  	s14 =	simm.s32 $0x1D200  }
0x246: {  	[tilespmem:s14], [sflag:$0x3] =	stream.indirect_vreg.gather [hbm4b:s6+s3], $0x80, v3, vm0, $0xb8;
	[tilespmem:$0x1E200] =	vst v63  }
0x247: {  	s19 =	simm.s32 $0x1DA00  }
0x248: {  	[tilespmem:s19], [sflag:$0x3] =	stream.indirect_vreg.gather [hbm4b:s7+s3], $0x80, v3, vm0, $0xb8;
	[tilespmem:$0x1E200] =	vst v63  }
0x249: {  	_ =	swait.ge [sflag:s1], $0xA000  }
0x24a: {  	[sflag:s1] =	ssyncset.done $0x0  }
0x24b: {  	s20 =	rddreg [dreg:$0xa];
	[sflag:s1] =	ssyncadd.s32 $0xFFFF6000  }
0x24c: {  	[hbm4b:s20+s3] =	stream.linear.scatter [tilespmem:s15], [sflag:$0x4], $0xA000, $0x38;
	[tilespmem:$0x1E200] =	vst v63  }
0x24d: {  	_ =	swait.ge [sflag:s4], $0xA000  }
0x24e: {  	[sflag:s4] =	ssyncset.done $0x0  }
0x24f: {  	[sflag:s4] =	ssyncadd.s32 $0xFFFF6000  }
0x250: {  	v3 =	vld [tilespmem:$0x168];
	_ =	sdelay $0x4  }
0x251: {  	v53 =	vshll.u32 v3, $0x3  }
0x252: {  	v3 =	vand.u32 $0x7, v3;
	v4 =	vand.u32 $0xFFFFFFC0, v53  }
0x253: {  	v3 =	vor.u32 v3, v4  }
0x254: {  	v4 =	vperm.xlane v3, v0;
	_ =	sdelay $0x1  }
0x255: {  	v4 =	vadd.s32 v1, v4;
	_ =	sdelay $0x4  }
0x256: {  	[tilespmem:s15], [sflag:$0x1] =	stream.indirect_vreg.gather [hbm4b:s2+s3], $0x80, v4, vm0, $0xb8;
	[tilespmem:$0x1E200] =	vst v63  }
0x257: {  	s22 =	simm.s32 $0xA00;
	v3 =	vperm.xlane v3, v2  }
0x258: {  	[tilespmem:s22], [sflag:$0x1] =	stream.indirect_vreg.gather [hbm4b:s5+s3], $0x80, v4, vm0, $0xb8;
	[tilespmem:$0x1E200] =	vst v63  }
0x259: {  	s24 =	simm.s32 $0x1200;
	v3 =	vadd.s32 v1, v3  }
0x25a: {  	[tilespmem:s24], [sflag:$0x1] =	stream.indirect_vreg.gather [hbm4b:s6+s3], $0x80, v4, vm0, $0xb8;
	[tilespmem:$0x1E200] =	vst v63  }
0x25b: {  	s14 =	simm.s32 $0x1A00  }
0x25c: {  	[tilespmem:s14], [sflag:$0x1] =	stream.indirect_vreg.gather [hbm4b:s7+s3], $0x80, v4, vm0, $0xb8;
	[tilespmem:$0x1E200] =	vst v63  }
0x25d: {  	s11 =	simm.s32 $0x2200  }
0x25e: {  	[tilespmem:s11], [sflag:$0x1] =	stream.indirect_vreg.gather [hbm4b:s2+s3], $0x80, v3, vm0, $0xb8;
	[tilespmem:$0x1E200] =	vst v63  }
0x25f: {  	s25 =	simm.s32 $0x2A00  }
0x260: {  	[tilespmem:s25], [sflag:$0x1] =	stream.indirect_vreg.gather [hbm4b:s5+s3], $0x80, v3, vm0, $0xb8;
	[tilespmem:$0x1E200] =	vst v63  }
0x261: {  	s18 =	simm.s32 $0x3200  }
0x262: {  	[tilespmem:s18], [sflag:$0x1] =	stream.indirect_vreg.gather [hbm4b:s6+s3], $0x80, v3, vm0, $0xb8;
	[tilespmem:$0x1E200] =	vst v63  }
0x263: {  	s16 =	simm.s32 $0x3A00  }
0x264: {  	[tilespmem:s16], [sflag:$0x1] =	stream.indirect_vreg.gather [hbm4b:s7+s3], $0x80, v3, vm0, $0xb8;
	[tilespmem:$0x1E200] =	vst v63  }
0x265: {  	v3 =	vld [tilespmem:$0x178];
	_ =	sdelay $0x4  }
0x266: {  	v54 =	vshll.u32 v3, $0x3  }
0x267: {  	v3 =	vand.u32 $0x7, v3;
	v4 =	vand.u32 $0xFFFFFFC0, v54  }
0x268: {  	v3 =	vor.u32 v3, v4  }
0x269: {  	v4 =	vperm.xlane v3, v0;
	_ =	sdelay $0x1  }
0x26a: {  	v4 =	vadd.s32 v1, v4;
	_ =	sdelay $0x3  }
0x26b: {  	s18 =	simm.s32 $0x4200  }
0x26c: {  	[tilespmem:s18], [sflag:$0x1] =	stream.indirect_vreg.gather [hbm4b:s2+s3], $0x80, v4, vm0, $0xb8;
	[tilespmem:$0x1E200] =	vst v63  }
0x26d: {  	s23 =	simm.s32 $0x4A00;
	v3 =	vperm.xlane v3, v2  }
0x26e: {  	[tilespmem:s23], [sflag:$0x1] =	stream.indirect_vreg.gather [hbm4b:s5+s3], $0x80, v4, vm0, $0xb8;
	[tilespmem:$0x1E200] =	vst v63  }
0x26f: {  	s12 =	simm.s32 $0x5200;
	v3 =	vadd.s32 v1, v3  }
0x270: {  	[tilespmem:s12], [sflag:$0x1] =	stream.indirect_vreg.gather [hbm4b:s6+s3], $0x80, v4, vm0, $0xb8;
	[tilespmem:$0x1E200] =	vst v63  }
0x271: {  	s13 =	simm.s32 $0x5A00  }
0x272: {  	[tilespmem:s13], [sflag:$0x1] =	stream.indirect_vreg.gather [hbm4b:s7+s3], $0x80, v4, vm0, $0xb8;
	[tilespmem:$0x1E200] =	vst v63  }
0x273: {  	s17 =	simm.s32 $0x6200  }
0x274: {  	[tilespmem:s17], [sflag:$0x1] =	stream.indirect_vreg.gather [hbm4b:s2+s3], $0x80, v3, vm0, $0xb8;
	[tilespmem:$0x1E200] =	vst v63  }
0x275: {  	s21 =	simm.s32 $0x6A00  }
0x276: {  	[tilespmem:s21], [sflag:$0x1] =	stream.indirect_vreg.gather [hbm4b:s5+s3], $0x80, v3, vm0, $0xb8;
	[tilespmem:$0x1E200] =	vst v63  }
0x277: {  	s31 =	simm.s32 $0x7200  }
0x278: {  	[tilespmem:s31], [sflag:$0x1] =	stream.indirect_vreg.gather [hbm4b:s6+s3], $0x80, v3, vm0, $0xb8;
	[tilespmem:$0x1E200] =	vst v63  }
0x279: {  	s23 =	simm.s32 $0x7A00  }
0x27a: {  	[tilespmem:s23], [sflag:$0x1] =	stream.indirect_vreg.gather [hbm4b:s7+s3], $0x80, v3, vm0, $0xb8;
	[tilespmem:$0x1E200] =	vst v63  }
0x27b: {  	v3 =	vld.msk [tilespmem:$0x188], $0xff;
	_ =	sdelay $0x4  }
0x27c: {  	v55 =	vshll.u32 v3, $0x3  }
0x27d: {  	v3 =	vand.u32 $0x7, v3;
	v4 =	vand.u32 $0xFFFFFFC0, v55  }
0x27e: {  	v3 =	vor.u32 v3, v4  }
0x27f: {  	v3 =	vperm.xlane v3, v0;
	_ =	sdelay $0x1  }
0x280: {  	v3 =	vadd.s32 v1, v3;
	_ =	sdelay $0x3  }
0x281: {  	s31 =	simm.s32 $0x8200  }
0x282: {  	[tilespmem:s31], [sflag:$0x1] =	stream.indirect_vreg.gather [hbm4b:s2+s3], $0x80, v3, vm0, $0xb8;
	[tilespmem:$0x1E200] =	vst v63  }
0x283: {  	s31 =	simm.s32 $0x8A00  }
0x284: {  	[tilespmem:s31], [sflag:$0x1] =	stream.indirect_vreg.gather [hbm4b:s5+s3], $0x80, v3, vm0, $0xb8;
	[tilespmem:$0x1E200] =	vst v63  }
0x285: {  	s31 =	simm.s32 $0x9200  }
0x286: {  	[tilespmem:s31], [sflag:$0x1] =	stream.indirect_vreg.gather [hbm4b:s6+s3], $0x80, v3, vm0, $0xb8;
	[tilespmem:$0x1E200] =	vst v63  }
0x287: {  	s31 =	simm.s32 $0x9A00  }
0x288: {  	[tilespmem:s31], [sflag:$0x1] =	stream.indirect_vreg.gather [hbm4b:s7+s3], $0x80, v3, vm0, $0xb8;
	[tilespmem:$0x1E200] =	vst v63  }
0x289: {  	_ =	swait.ge [sflag:s26], $0xA000  }
0x28a: {  	[sflag:s26] =	ssyncset.done $0x0  }
0x28b: {  	s31 =	rddreg [dreg:$0xb];
	[sflag:s26] =	ssyncadd.s32 $0xFFFF6000  }
0x28c: {  	[hbm4b:s31+s3] =	stream.linear.scatter [tilespmem:s10], [sflag:$0x5], $0xA000, $0x38;
	[tilespmem:$0x1E200] =	vst v63  }
0x28d: {  	_ =	swait.ge [sflag:s28], $0xA000  }
0x28e: {  	[sflag:s28] =	ssyncset.done $0x0  }
0x28f: {  	[sflag:s28] =	ssyncadd.s32 $0xFFFF6000  }
0x290: {  	v3 =	vld [tilespmem:$0x190];
	_ =	sdelay $0x4  }
0x291: {  	v56 =	vshll.u32 v3, $0x3  }
0x292: {  	v3 =	vand.u32 $0x7, v3;
	v4 =	vand.u32 $0xFFFFFFC0, v56  }
0x293: {  	v3 =	vor.u32 v3, v4  }
0x294: {  	v4 =	vperm.xlane v3, v0;
	_ =	sdelay $0x1  }
0x295: {  	v4 =	vadd.s32 v1, v4;
	_ =	sdelay $0x4  }
0x296: {  	[tilespmem:s10], [sflag:$0x2] =	stream.indirect_vreg.gather [hbm4b:s2+s3], $0x80, v4, vm0, $0xb8;
	[tilespmem:$0x1E200] =	vst v63  }
0x297: {  	s31 =	simm.s32 $0xAA00;
	v3 =	vperm.xlane v3, v2  }
0x298: {  	[tilespmem:s31], [sflag:$0x2] =	stream.indirect_vreg.gather [hbm4b:s5+s3], $0x80, v4, vm0, $0xb8;
	[tilespmem:$0x1E200] =	vst v63  }
0x299: {  	v3 =	vadd.s32 v1, v3;
	s31 =	simm.s32 $0xB200  }
0x29a: {  	[tilespmem:s31], [sflag:$0x2] =	stream.indirect_vreg.gather [hbm4b:s6+s3], $0x80, v4, vm0, $0xb8;
	[tilespmem:$0x1E200] =	vst v63  }
0x29b: {  	s31 =	simm.s32 $0xBA00  }
0x29c: {  	[tilespmem:s31], [sflag:$0x2] =	stream.indirect_vreg.gather [hbm4b:s7+s3], $0x80, v4, vm0, $0xb8;
	[tilespmem:$0x1E200] =	vst v63  }
0x29d: {  	s31 =	simm.s32 $0xC200  }
0x29e: {  	[tilespmem:s31], [sflag:$0x2] =	stream.indirect_vreg.gather [hbm4b:s2+s3], $0x80, v3, vm0, $0xb8;
	[tilespmem:$0x1E200] =	vst v63  }
0x29f: {  	s31 =	simm.s32 $0xCA00  }
0x2a0: {  	[tilespmem:s31], [sflag:$0x2] =	stream.indirect_vreg.gather [hbm4b:s5+s3], $0x80, v3, vm0, $0xb8;
	[tilespmem:$0x1E200] =	vst v63  }
0x2a1: {  	s31 =	simm.s32 $0xD200  }
0x2a2: {  	[tilespmem:s31], [sflag:$0x2] =	stream.indirect_vreg.gather [hbm4b:s6+s3], $0x80, v3, vm0, $0xb8;
	[tilespmem:$0x1E200] =	vst v63  }
0x2a3: {  	s31 =	simm.s32 $0xDA00  }
0x2a4: {  	[tilespmem:s31], [sflag:$0x2] =	stream.indirect_vreg.gather [hbm4b:s7+s3], $0x80, v3, vm0, $0xb8;
	[tilespmem:$0x1E200] =	vst v63  }
0x2a5: {  	v3 =	vld [tilespmem:$0x1A0];
	_ =	sdelay $0x4  }
0x2a6: {  	v57 =	vshll.u32 v3, $0x3  }
0x2a7: {  	v3 =	vand.u32 $0x7, v3;
	v4 =	vand.u32 $0xFFFFFFC0, v57  }
0x2a8: {  	v3 =	vor.u32 v3, v4  }
0x2a9: {  	v4 =	vperm.xlane v3, v0;
	_ =	sdelay $0x1  }
0x2aa: {  	v4 =	vadd.s32 v1, v4;
	_ =	sdelay $0x3  }
0x2ab: {  	s31 =	simm.s32 $0xE200  }
0x2ac: {  	[tilespmem:s31], [sflag:$0x2] =	stream.indirect_vreg.gather [hbm4b:s2+s3], $0x80, v4, vm0, $0xb8;
	[tilespmem:$0x1E200] =	vst v63  }
0x2ad: {  	v3 =	vperm.xlane v3, v2;
	s31 =	simm.s32 $0xEA00  }
0x2ae: {  	[tilespmem:s31], [sflag:$0x2] =	stream.indirect_vreg.gather [hbm4b:s5+s3], $0x80, v4, vm0, $0xb8;
	[tilespmem:$0x1E200] =	vst v63  }
0x2af: {  	v3 =	vadd.s32 v1, v3;
	s31 =	simm.s32 $0xF200  }
0x2b0: {  	[tilespmem:s31], [sflag:$0x2] =	stream.indirect_vreg.gather [hbm4b:s6+s3], $0x80, v4, vm0, $0xb8;
	[tilespmem:$0x1E200] =	vst v63  }
0x2b1: {  	s31 =	simm.s32 $0xFA00  }
0x2b2: {  	[tilespmem:s31], [sflag:$0x2] =	stream.indirect_vreg.gather [hbm4b:s7+s3], $0x80, v4, vm0, $0xb8;
	[tilespmem:$0x1E200] =	vst v63  }
0x2b3: {  	s31 =	simm.s32 $0x10200  }
0x2b4: {  	[tilespmem:s31], [sflag:$0x2] =	stream.indirect_vreg.gather [hbm4b:s2+s3], $0x80, v3, vm0, $0xb8;
	[tilespmem:$0x1E200] =	vst v63  }
0x2b5: {  	s31 =	simm.s32 $0x10A00  }
0x2b6: {  	[tilespmem:s31], [sflag:$0x2] =	stream.indirect_vreg.gather [hbm4b:s5+s3], $0x80, v3, vm0, $0xb8;
	[tilespmem:$0x1E200] =	vst v63  }
0x2b7: {  	s31 =	simm.s32 $0x11200  }
0x2b8: {  	[tilespmem:s31], [sflag:$0x2] =	stream.indirect_vreg.gather [hbm4b:s6+s3], $0x80, v3, vm0, $0xb8;
	[tilespmem:$0x1E200] =	vst v63  }
0x2b9: {  	s31 =	simm.s32 $0x11A00  }
0x2ba: {  	[tilespmem:s31], [sflag:$0x2] =	stream.indirect_vreg.gather [hbm4b:s7+s3], $0x80, v3, vm0, $0xb8;
	[tilespmem:$0x1E200] =	vst v63  }
0x2bb: {  	v3 =	vld.msk [tilespmem:$0x1B0], $0xff;
	_ =	sdelay $0x4  }
0x2bc: {  	v58 =	vshll.u32 v3, $0x3  }
0x2bd: {  	v3 =	vand.u32 $0x7, v3;
	v4 =	vand.u32 $0xFFFFFFC0, v58  }
0x2be: {  	v3 =	vor.u32 v3, v4  }
0x2bf: {  	v3 =	vperm.xlane v3, v0;
	_ =	sdelay $0x1  }
0x2c0: {  	v3 =	vadd.s32 v1, v3;
	_ =	sdelay $0x3  }
0x2c1: {  	s31 =	simm.s32 $0x12200  }
0x2c2: {  	[tilespmem:s31], [sflag:$0x2] =	stream.indirect_vreg.gather [hbm4b:s2+s3], $0x80, v3, vm0, $0xb8;
	[tilespmem:$0x1E200] =	vst v63  }
0x2c3: {  	s31 =	simm.s32 $0x12A00  }
0x2c4: {  	[tilespmem:s31], [sflag:$0x2] =	stream.indirect_vreg.gather [hbm4b:s5+s3], $0x80, v3, vm0, $0xb8;
	[tilespmem:$0x1E200] =	vst v63  }
0x2c5: {  	s31 =	simm.s32 $0x13200  }
0x2c6: {  	[tilespmem:s31], [sflag:$0x2] =	stream.indirect_vreg.gather [hbm4b:s6+s3], $0x80, v3, vm0, $0xb8;
	[tilespmem:$0x1E200] =	vst v63  }
0x2c7: {  	s31 =	simm.s32 $0x13A00  }
0x2c8: {  	[tilespmem:s31], [sflag:$0x2] =	stream.indirect_vreg.gather [hbm4b:s7+s3], $0x80, v3, vm0, $0xb8;
	[tilespmem:$0x1E200] =	vst v63  }
0x2c9: {  	_ =	swait.ge [sflag:s29], $0xA000  }
0x2ca: {  	[sflag:s29] =	ssyncset.done $0x0  }
0x2cb: {  	s31 =	rddreg [dreg:$0xc];
	[sflag:s29] =	ssyncadd.s32 $0xFFFF6000  }
0x2cc: {  	[hbm4b:s31+s3] =	stream.linear.scatter [tilespmem:s9], [sflag:$0x6], $0xA000, $0x38;
	[tilespmem:$0x1E200] =	vst v63  }
0x2cd: {  	_ =	swait.ge [sflag:s30], $0xA000  }
0x2ce: {  	[sflag:s30] =	ssyncset.done $0x0  }
0x2cf: {  	[sflag:s30] =	ssyncadd.s32 $0xFFFF6000  }
0x2d0: {  	v3 =	vld [tilespmem:$0x1B8];
	_ =	sdelay $0x4  }
0x2d1: {  	v59 =	vshll.u32 v3, $0x3  }
0x2d2: {  	v3 =	vand.u32 $0x7, v3;
	v4 =	vand.u32 $0xFFFFFFC0, v59  }
0x2d3: {  	v3 =	vor.u32 v3, v4  }
0x2d4: {  	v4 =	vperm.xlane v3, v0;
	_ =	sdelay $0x1  }
0x2d5: {  	v4 =	vadd.s32 v1, v4;
	_ =	sdelay $0x4  }
0x2d6: {  	[tilespmem:s9], [sflag:$0x3] =	stream.indirect_vreg.gather [hbm4b:s2+s3], $0x80, v4, vm0, $0xb8;
	[tilespmem:$0x1E200] =	vst v63  }
0x2d7: {  	s31 =	simm.s32 $0x14A00;
	v3 =	vperm.xlane v3, v2  }
0x2d8: {  	[tilespmem:s31], [sflag:$0x3] =	stream.indirect_vreg.gather [hbm4b:s5+s3], $0x80, v4, vm0, $0xb8;
	[tilespmem:$0x1E200] =	vst v63  }
0x2d9: {  	v3 =	vadd.s32 v1, v3;
	s31 =	simm.s32 $0x15200  }
0x2da: {  	[tilespmem:s31], [sflag:$0x3] =	stream.indirect_vreg.gather [hbm4b:s6+s3], $0x80, v4, vm0, $0xb8;
	[tilespmem:$0x1E200] =	vst v63  }
0x2db: {  	s31 =	simm.s32 $0x15A00  }
0x2dc: {  	[tilespmem:s31], [sflag:$0x3] =	stream.indirect_vreg.gather [hbm4b:s7+s3], $0x80, v4, vm0, $0xb8;
	[tilespmem:$0x1E200] =	vst v63  }
0x2dd: {  	s31 =	simm.s32 $0x16200  }
0x2de: {  	[tilespmem:s31], [sflag:$0x3] =	stream.indirect_vreg.gather [hbm4b:s2+s3], $0x80, v3, vm0, $0xb8;
	[tilespmem:$0x1E200] =	vst v63  }
0x2df: {  	s31 =	simm.s32 $0x16A00  }
0x2e0: {  	[tilespmem:s31], [sflag:$0x3] =	stream.indirect_vreg.gather [hbm4b:s5+s3], $0x80, v3, vm0, $0xb8;
	[tilespmem:$0x1E200] =	vst v63  }
0x2e1: {  	s31 =	simm.s32 $0x17200  }
0x2e2: {  	[tilespmem:s31], [sflag:$0x3] =	stream.indirect_vreg.gather [hbm4b:s6+s3], $0x80, v3, vm0, $0xb8;
	[tilespmem:$0x1E200] =	vst v63  }
0x2e3: {  	s31 =	simm.s32 $0x17A00  }
0x2e4: {  	[tilespmem:s31], [sflag:$0x3] =	stream.indirect_vreg.gather [hbm4b:s7+s3], $0x80, v3, vm0, $0xb8;
	[tilespmem:$0x1E200] =	vst v63  }
0x2e5: {  	v3 =	vld [tilespmem:$0x1C8];
	_ =	sdelay $0x4  }
0x2e6: {  	v60 =	vshll.u32 v3, $0x3  }
0x2e7: {  	v3 =	vand.u32 $0x7, v3;
	v4 =	vand.u32 $0xFFFFFFC0, v60  }
0x2e8: {  	v3 =	vor.u32 v3, v4  }
0x2e9: {  	v4 =	vperm.xlane v3, v0;
	_ =	sdelay $0x1  }
0x2ea: {  	v4 =	vadd.s32 v1, v4;
	_ =	sdelay $0x3  }
0x2eb: {  	s31 =	simm.s32 $0x18200  }
0x2ec: {  	[tilespmem:s31], [sflag:$0x3] =	stream.indirect_vreg.gather [hbm4b:s2+s3], $0x80, v4, vm0, $0xb8;
	[tilespmem:$0x1E200] =	vst v63  }
0x2ed: {  	v3 =	vperm.xlane v3, v2;
	s31 =	simm.s32 $0x18A00  }
0x2ee: {  	[tilespmem:s31], [sflag:$0x3] =	stream.indirect_vreg.gather [hbm4b:s5+s3], $0x80, v4, vm0, $0xb8;
	[tilespmem:$0x1E200] =	vst v63  }
0x2ef: {  	v3 =	vadd.s32 v1, v3;
	s31 =	simm.s32 $0x19200  }
0x2f0: {  	[tilespmem:s31], [sflag:$0x3] =	stream.indirect_vreg.gather [hbm4b:s6+s3], $0x80, v4, vm0, $0xb8;
	[tilespmem:$0x1E200] =	vst v63  }
0x2f1: {  	s31 =	simm.s32 $0x19A00  }
0x2f2: {  	[tilespmem:s31], [sflag:$0x3] =	stream.indirect_vreg.gather [hbm4b:s7+s3], $0x80, v4, vm0, $0xb8;
	[tilespmem:$0x1E200] =	vst v63  }
0x2f3: {  	s31 =	simm.s32 $0x1A200  }
0x2f4: {  	[tilespmem:s31], [sflag:$0x3] =	stream.indirect_vreg.gather [hbm4b:s2+s3], $0x80, v3, vm0, $0xb8;
	[tilespmem:$0x1E200] =	vst v63  }
0x2f5: {  	s31 =	simm.s32 $0x1AA00  }
0x2f6: {  	[tilespmem:s31], [sflag:$0x3] =	stream.indirect_vreg.gather [hbm4b:s5+s3], $0x80, v3, vm0, $0xb8;
	[tilespmem:$0x1E200] =	vst v63  }
0x2f7: {  	s31 =	simm.s32 $0x1B200  }
0x2f8: {  	[tilespmem:s31], [sflag:$0x3] =	stream.indirect_vreg.gather [hbm4b:s6+s3], $0x80, v3, vm0, $0xb8;
	[tilespmem:$0x1E200] =	vst v63  }
0x2f9: {  	s31 =	simm.s32 $0x1BA00  }
0x2fa: {  	[tilespmem:s31], [sflag:$0x3] =	stream.indirect_vreg.gather [hbm4b:s7+s3], $0x80, v3, vm0, $0xb8;
	[tilespmem:$0x1E200] =	vst v63  }
0x2fb: {  	v3 =	vld.msk [tilespmem:$0x1D8], $0xff;
	_ =	sdelay $0x4  }
0x2fc: {  	v61 =	vshll.u32 v3, $0x3  }
0x2fd: {  	v3 =	vand.u32 $0x7, v3;
	v4 =	vand.u32 $0xFFFFFFC0, v61  }
0x2fe: {  	v3 =	vor.u32 v3, v4  }
0x2ff: {  	v3 =	vperm.xlane v3, v0;
	_ =	sdelay $0x1  }
0x300: {  	v3 =	vadd.s32 v1, v3;
	_ =	sdelay $0x3  }
0x301: {  	s31 =	simm.s32 $0x1C200  }
0x302: {  	[tilespmem:s31], [sflag:$0x3] =	stream.indirect_vreg.gather [hbm4b:s2+s3], $0x80, v3, vm0, $0xb8;
	[tilespmem:$0x1E200] =	vst v63  }
0x303: {  	s31 =	simm.s32 $0x1CA00  }
0x304: {  	[tilespmem:s31], [sflag:$0x3] =	stream.indirect_vreg.gather [hbm4b:s5+s3], $0x80, v3, vm0, $0xb8;
	[tilespmem:$0x1E200] =	vst v63  }
0x305: {  	s31 =	simm.s32 $0x1D200  }
0x306: {  	[tilespmem:s31], [sflag:$0x3] =	stream.indirect_vreg.gather [hbm4b:s6+s3], $0x80, v3, vm0, $0xb8;
	[tilespmem:$0x1E200] =	vst v63  }
0x307: {  	s31 =	simm.s32 $0x1DA00  }
0x308: {  	[tilespmem:s31], [sflag:$0x3] =	stream.indirect_vreg.gather [hbm4b:s7+s3], $0x80, v3, vm0, $0xb8;
	[tilespmem:$0x1E200] =	vst v63  }
0x309: {  	_ =	swait.ge [sflag:s1], $0xA000  }
0x30a: {  	[sflag:s1] =	ssyncset.done $0x0  }
0x30b: {  	s31 =	rddreg [dreg:$0xd];
	[sflag:s1] =	ssyncadd.s32 $0xFFFF6000  }
0x30c: {  	[hbm4b:s31+s3] =	stream.linear.scatter [tilespmem:s15], [sflag:$0x4], $0xA000, $0x38;
	[tilespmem:$0x1E200] =	vst v63  }
0x30d: {  	_ =	swait.ge [sflag:s4], $0xA000  }
0x30e: {  	[sflag:s4] =	ssyncset.done $0x0  }
0x30f: {  	[sflag:s4] =	ssyncadd.s32 $0xFFFF6000  }
0x310: {  	v3 =	vld [tilespmem:$0x1E0];
	_ =	sdelay $0x4  }
0x311: {  	v62 =	vshll.u32 v3, $0x3  }
0x312: {  	v3 =	vand.u32 $0x7, v3;
	v4 =	vand.u32 $0xFFFFFFC0, v62  }
0x313: {  	v3 =	vor.u32 v3, v4  }
0x314: {  	v4 =	vperm.xlane v3, v0;
	_ =	sdelay $0x1  }
0x315: {  	v4 =	vadd.s32 v1, v4;
	_ =	sdelay $0x4  }
0x316: {  	[tilespmem:s15], [sflag:$0x1] =	stream.indirect_vreg.gather [hbm4b:s2+s3], $0x80, v4, vm0, $0xb8;
	[tilespmem:$0x1E200] =	vst v63  }
0x317: {  	s20 =	simm.s32 $0xA00;
	v3 =	vperm.xlane v3, v2  }
0x318: {  	[tilespmem:s20], [sflag:$0x1] =	stream.indirect_vreg.gather [hbm4b:s5+s3], $0x80, v4, vm0, $0xb8;
	[tilespmem:$0x1E200] =	vst v63  }
0x319: {  	s19 =	simm.s32 $0x1200;
	v3 =	vadd.s32 v1, v3  }
0x31a: {  	[tilespmem:s19], [sflag:$0x1] =	stream.indirect_vreg.gather [hbm4b:s6+s3], $0x80, v4, vm0, $0xb8;
	[tilespmem:$0x1E200] =	vst v63  }
0x31b: {  	s20 =	simm.s32 $0x1A00  }
0x31c: {  	[tilespmem:s20], [sflag:$0x1] =	stream.indirect_vreg.gather [hbm4b:s7+s3], $0x80, v4, vm0, $0xb8;
	[tilespmem:$0x1E200] =	vst v63  }
0x31d: {  	s14 =	simm.s32 $0x2200  }
0x31e: {  	[tilespmem:s14], [sflag:$0x1] =	stream.indirect_vreg.gather [hbm4b:s2+s3], $0x80, v3, vm0, $0xb8;
	[tilespmem:$0x1E200] =	vst v63  }
0x31f: {  	s24 =	simm.s32 $0x2A00  }
0x320: {  	[tilespmem:s24], [sflag:$0x1] =	stream.indirect_vreg.gather [hbm4b:s5+s3], $0x80, v3, vm0, $0xb8;
	[tilespmem:$0x1E200] =	vst v63  }
0x321: {  	s22 =	simm.s32 $0x3200  }
0x322: {  	[tilespmem:s22], [sflag:$0x1] =	stream.indirect_vreg.gather [hbm4b:s6+s3], $0x80, v3, vm0, $0xb8;
	[tilespmem:$0x1E200] =	vst v63  }
0x323: {  	s11 =	simm.s32 $0x3A00  }
0x324: {  	[tilespmem:s11], [sflag:$0x1] =	stream.indirect_vreg.gather [hbm4b:s7+s3], $0x80, v3, vm0, $0xb8;
	[tilespmem:$0x1E200] =	vst v63  }
0x325: {  	v3 =	vld [tilespmem:$0x1F0];
	_ =	sdelay $0x4  }
0x326: {  	v63 =	vshll.u32 v3, $0x3  }
0x327: {  	v3 =	vand.u32 $0x7, v3;
	v4 =	vand.u32 $0xFFFFFFC0, v63  }
0x328: {  	v3 =	vor.u32 v3, v4  }
0x329: {  	v4 =	vperm.xlane v3, v0;
	_ =	sdelay $0x1  }
0x32a: {  	v4 =	vadd.s32 v1, v4;
	_ =	sdelay $0x3  }
0x32b: {  	s25 =	simm.s32 $0x4200  }
0x32c: {  	[tilespmem:s25], [sflag:$0x1] =	stream.indirect_vreg.gather [hbm4b:s2+s3], $0x80, v4, vm0, $0xb8;
	[tilespmem:$0x1E200] =	vst v63  }
0x32d: {  	s18 =	simm.s32 $0x4A00;
	v3 =	vperm.xlane v3, v2  }
0x32e: {  	[tilespmem:s18], [sflag:$0x1] =	stream.indirect_vreg.gather [hbm4b:s5+s3], $0x80, v4, vm0, $0xb8;
	[tilespmem:$0x1E200] =	vst v63  }
0x32f: {  	s16 =	simm.s32 $0x5200;
	v3 =	vadd.s32 v1, v3  }
0x330: {  	[tilespmem:s16], [sflag:$0x1] =	stream.indirect_vreg.gather [hbm4b:s6+s3], $0x80, v4, vm0, $0xb8;
	[tilespmem:$0x1E200] =	vst v63  }
0x331: {  	s12 =	simm.s32 $0x5A00  }
0x332: {  	[tilespmem:s12], [sflag:$0x1] =	stream.indirect_vreg.gather [hbm4b:s7+s3], $0x80, v4, vm0, $0xb8;
	[tilespmem:$0x1E200] =	vst v63  }
0x333: {  	s13 =	simm.s32 $0x6200  }
0x334: {  	[tilespmem:s13], [sflag:$0x1] =	stream.indirect_vreg.gather [hbm4b:s2+s3], $0x80, v3, vm0, $0xb8;
	[tilespmem:$0x1E200] =	vst v63  }
0x335: {  	s17 =	simm.s32 $0x6A00  }
0x336: {  	[tilespmem:s17], [sflag:$0x1] =	stream.indirect_vreg.gather [hbm4b:s5+s3], $0x80, v3, vm0, $0xb8;
	[tilespmem:$0x1E200] =	vst v63  }
0x337: {  	s21 =	simm.s32 $0x7200  }
0x338: {  	[tilespmem:s21], [sflag:$0x1] =	stream.indirect_vreg.gather [hbm4b:s6+s3], $0x80, v3, vm0, $0xb8;
	[tilespmem:$0x1E200] =	vst v63  }
0x339: {  	s23 =	simm.s32 $0x7A00  }
0x33a: {  	[tilespmem:s23], [sflag:$0x1] =	stream.indirect_vreg.gather [hbm4b:s7+s3], $0x80, v3, vm0, $0xb8;
	[tilespmem:$0x1E200] =	vst v63  }
0x33b: {  	_ =	swait.ge [sflag:s26], $0xA000  }
0x33c: {  	[sflag:s26] =	ssyncset.done $0x0  }
0x33d: {  	s24 =	rddreg [dreg:$0xe];
	[sflag:s26] =	ssyncadd.s32 $0xFFFF6000  }
0x33e: {  	[hbm4b:s24+s3] =	stream.linear.scatter [tilespmem:s10], [sflag:$0x5], $0xA000, $0x38;
	[tilespmem:$0x1E200] =	vst v63  }
0x33f: {  	_ =	swait.ge [sflag:s29], $0xA000  }
0x340: {  	[sflag:s29] =	ssyncset.done $0x0  }
0x341: {  	s25 =	rddreg [dreg:$0xf];
	[sflag:s29] =	ssyncadd.s32 $0xFFFF6000  }
0x342: {  	[hbm4b:s25+s3] =	stream.linear.scatter [tilespmem:s9], [sflag:$0x6], $0xA000, $0x38;
	[tilespmem:$0x1E200] =	vst v63  }
0x343: {  	_ =	swait.ge [sflag:s1], $0x8000  }
0x344: {  	[sflag:s1] =	ssyncset.done $0x0  }
0x345: {  	s31 =	rddreg [dreg:$0x10];
	[sflag:s1] =	ssyncadd.s32 $0xFFFF8000  }
0x346: {  	[hbm4b:s31+s3] =	stream.linear.scatter [tilespmem:s15], [sflag:$0x4], $0x8000, $0x38;
	[tilespmem:$0x1E200] =	vst v63  }
0x347: {  	_ =	swait.ge [sflag:s4], $0x8000  }
0x348: {  	[sflag:s4] =	ssyncset.done $0x0  }
0x349: {  	[sflag:s4] =	ssyncadd.s32 $0xFFFF8000  }
0x34a: {  	p0 =	sne.s32 s8, $0x1;
	_ =	swait.ge [sflag:s28], $0xA000  }
.Ltmp0:
0x34b: {  	[sflag:s28] =	ssyncset.done $0x0;
	(pc) =	sbr.rel @p0 .LBB2_1-.Ltmp0, $4  }
0x34c: {  	[sflag:s28] =	ssyncadd.s32 $0xFFFF6000  }
0x34d: {  	_ =	swait.ge [sflag:s30], $0xA000  }
0x34e: {  	[sflag:s30] =	ssyncset.done $0x0  }
0x34f: {  	s8 =	sadd.s32 $0xFFFFFFFF, s8;
	[sflag:s30] =	ssyncadd.s32 $0xFFFF6000  }
0x350: {  	_ =	sfence.sel $0x180000  }
0x351: {  	[bflag:$0x0] =	sbarrier.arrive $0xFFFF  }
0x352: {  	_ =	strace $0x90000047  }
0x353: {  	s0 =	stileid.u32;
	[bflag:$0x2] =	sbarrier.arrive $0xFFFF  }
0x354: {  	p0 =	sne.s32 s0, $0x0;
	s0 =	rddreg [dreg:$0x3]  }
0x355: {  	s0 =	sadd.s32 @!p0 $0x100000, s0  }
0x356: {  	[sflag:s0] =	ssyncadd.tile.s32 @!p0 $0x1;
	_ =	shalt  }
.Lfunc_end2:
_tile_overlayer_lowered:
.L_overlay_start_2:
0x357: {  	(tag) =	ssettag $0x2  }
0x358: {  	s0 =	rddreg [dreg:$0x0];
	s2 =	stileid.u32  }
0x359: {  	s1 =	rddreg [dreg:$0x1];
	p0 =	sne.s32 s2, $0x0  }
0x35a: {  	s3 =	rddreg [dreg:$0x2];
	[bflag:$0x3] =	sbarrier.arrive $0xFFFF;
	s2 =	simm.s32 @!p0 $0x1C07  }
0x35b: {  	[timem:s3], [sflag:s2] =	dma.local @!p0 [hbm:s0], s1  }
0x35c: {  	s0 =	simm.s32 @!p0 $0x7  }
0x35d: {  	_ =	swait.ge @!p0 [sflag:s0], s1  }
0x35e: {  	s1 =	ssub.s32 @!p0 $0x0, s1;
	[sflag:s0] =	ssyncset.done @!p0 $0x0  }
0x35f: {  	[sflag:s0] =	ssyncadd.s32 @!p0 s1  }
0x360: {  	[bflag:$0x3] =	sbarrier.arrive $0xFFFF  }
0x361: {  	_ =	shalt  }

</sc_bundles>
